<compile_context>
chip_gen: v7x
topology: tpu7x:2x2x1
jax: 0.10.2.dev20260603
libtpu: 0.0.44.dev20260713+nightly
codegen_flags: <defaults>
</compile_context>

<pallas_src>
import jax
import jax.numpy as jnp
from jax import lax
from jax.experimental import pallas as pl
from jax.experimental.pallas import tpu as pltpu
from jax.experimental.pallas import tpu_sc as plsc

NUM_EMB = 1_000_000
DIM = 64
OUT_DIM = 128
BATCH = 16384
PADDED = 128

NC, NS = 2, 16
NW = NC * NS
B_PER_W = BATCH // NW
NSLOT = 7
QROWS = 128


def _gather_kernel(sidx_hbm, ord_hbm, tableT_hbm, out_hbm,
                   idx_v, idx_s, ord_v, chunks, rows_v, sem, osem):
    wid = lax.axis_index("s") * NC + lax.axis_index("c")
    base = wid * B_PER_W
    pltpu.sync_copy(sidx_hbm.at[pl.ds(base, B_PER_W)], idx_v)
    pltpu.sync_copy(ord_hbm.at[wid], ord_v)

    def stage(s, carry):
        iv = idx_v[pl.ds(16 * s, 16)]
        for t in range(16):
            idx_s[16 * s + t] = iv[t]
        return carry

    lax.fori_loop(0, B_PER_W // 16, stage, 0)

    def need(k):
        first = k == 0
        prev = idx_s[jnp.maximum(k - 1, 0)] >> 7
        return jnp.logical_or(first, (idx_s[k] >> 7) != prev)

    def blk_copy(k, slot):
        c = pl.multiple_of((idx_s[k] >> 7) << 7, 128)
        return pltpu.make_async_copy(
            tableT_hbm.at[:, pl.ds(c, 128)],
            chunks.at[slot],
            sem,
        )

    def body(p, carry):
        kf, fcf, fce = carry

        def adv_cond(c):
            kf, fcf = c
            return jnp.logical_and(
                kf < B_PER_W,
                jnp.logical_or(kf <= p, fcf - fce < NSLOT - 1),
            )

        def adv_body(c):
            kf, fcf = c
            nd = need(kf)

            @pl.when(nd)
            def _():
                blk_copy(kf, fcf % NSLOT).start()

            return kf + 1, fcf + nd.astype(jnp.int32)

        kf, fcf = lax.while_loop(adv_cond, adv_body, (kf, fcf))

        nd = need(p)
        fce = fce + nd.astype(jnp.int32)
        slot = (fce - 1) % NSLOT

        @pl.when(nd)
        def _():
            blk_copy(p, slot).wait()

        l = idx_s[p] & 127
        lvec = jnp.full((16,), l, jnp.int32)
        for m in range(DIM // 16):
            jvec = lax.iota(jnp.int32, 16) + (16 * m)
            vals = plsc.load_gather(chunks.at[slot], [jvec, lvec])
            rows_v[p, pl.ds(16 * m, 16)] = vals
        return kf, fcf, fce

    lax.fori_loop(
        0, B_PER_W, body, (jnp.int32(0), jnp.int32(0), jnp.int32(0))
    )

    ocopies = []
    for q in range(B_PER_W // QROWS):
        ocopies.append(
            pltpu.make_async_copy(
                rows_v.at[pl.ds(q * QROWS, QROWS)],
                out_hbm.at[ord_v.at[q]],
                osem,
            )
        )
    for cp in ocopies:
        cp.start()
    for cp in ocopies:
        cp.wait()


@jax.jit
def _sc_gather(sidx, ord3d, tableT):
    mesh = plsc.VectorSubcoreMesh(core_axis_name="c", subcore_axis_name="s")
    return pl.kernel(
        _gather_kernel,
        out_type=jax.ShapeDtypeStruct((BATCH, PADDED), jnp.float32),
        mesh=mesh,
        scratch_types=[
            pltpu.VMEM((B_PER_W,), jnp.int32),
            pltpu.SMEM((B_PER_W,), jnp.int32),
            pltpu.VMEM((B_PER_W // QROWS, QROWS), jnp.int32),
            pltpu.VMEM((NSLOT, DIM, 128), jnp.float32),
            pltpu.VMEM((B_PER_W, PADDED), jnp.float32),
            pltpu.SemaphoreType.DMA,
            pltpu.SemaphoreType.DMA,
        ],
        compiler_params=pltpu.CompilerParams(
            use_tc_tiling_on_sc=True, needs_layout_passes=False
        ),
    )(sidx, ord3d, tableT)


BLK = 2048


def _mm_kernel(g_ref, wt_ref, b_ref, o_ref):
    h = jnp.maximum(g_ref[:, :DIM], 0.0)
    o_ref[...] = (
        jnp.dot(h, wt_ref[...], preferred_element_type=jnp.float32) + b_ref[...]
    )


@jax.jit
def _tc_head(g, wt, b2d):
    return pl.pallas_call(
        _mm_kernel,
        grid=(BATCH // BLK,),
        in_specs=[
            pl.BlockSpec((BLK, PADDED), lambda i: (i, 0)),
            pl.BlockSpec((DIM, OUT_DIM), lambda i: (0, 0)),
            pl.BlockSpec((1, OUT_DIM), lambda i: (0, 0)),
        ],
        out_specs=pl.BlockSpec((BLK, OUT_DIM), lambda i: (i, 0)),
        out_shape=jax.ShapeDtypeStruct((BATCH, OUT_DIM), jnp.float32),
    )(g, wt, b2d)


def kernel(env_index, table, W, b):
    idx = env_index.astype(jnp.int32)
    sidx, order = lax.sort_key_val(idx, lax.iota(jnp.int32, BATCH))
    ord3d = order.reshape(NW, B_PER_W // QROWS, QROWS)
    g = _sc_gather(sidx, ord3d, table.T)
    return _tc_head(g, W.T, b.reshape(1, OUT_DIM))

# --- scband reference (transcript-rebuilt; emitter-appended) ---
"""Pipeline reference for scband-task-encoder-79637283603169 (READ-ONLY COPY).

The authoritative reference and input builder live on the scoring server;
editing this copy changes nothing except your own understanding.
"""

import jax, jax.numpy as jnp
import numpy as np

NUM_EMBEDDINGS = 1000000
EMBEDDING_DIM = 64
HIDDEN_DIM = 64
OUTPUT_DIM = 128
BATCH = 16384


def setup_inputs(seed: int = 0) -> dict:
    key = jax.random.key(seed)
    k_idx, k_tab, k_w, k_b = jax.random.split(key, 4)
    env_index = jax.random.randint(k_idx, (BATCH,), 0, NUM_EMBEDDINGS, dtype=jnp.int64 if jax.config.jax_enable_x64 else jnp.int32)
    table = jax.random.normal(k_tab, (NUM_EMBEDDINGS, EMBEDDING_DIM), dtype=jnp.float32)
    # nn.Linear default init: U(-1/sqrt(fan_in), 1/sqrt(fan_in))
    bound = 1.0 / np.sqrt(HIDDEN_DIM)
    W = jax.random.uniform(k_w, (OUTPUT_DIM, HIDDEN_DIM), minval=-bound, maxval=bound, dtype=jnp.float32)
    b = jax.random.uniform(k_b, (OUTPUT_DIM,), minval=-bound, maxval=bound, dtype=jnp.float32)
    return {"env_index": env_index, "table": table, "W": W, "b": b}


def reference(env_index, table, W, b):
    # nn.Embedding -> gather rows
    emb = jnp.take(table, env_index, axis=0)  # [B, embedding_dim]
    h = jax.nn.relu(emb)
    # nn.Linear: y = h @ W.T + b
    out = h @ W.T + b  # [B, output_dim]
    return out

if __name__ == "__main__":
    import jax
    _d = setup_inputs()
    print(jax.jit(kernel)(*tuple(_d.values())))

</pallas_src>

<mosaic_0001>
#map = affine_map<(d0, d1) -> (0)>
#map1 = affine_map<(d0, d1) -> (0, 0, 0)>
#map2 = affine_map<(d0, d1) -> (0, 0)>
module attributes {stable_mosaic.version = 14 : i64} {
  func.func @_gather_kernel(%arg0: i32, %arg1: i32, %arg2: memref<16384xi32, #tpu.memory_space<hbm>>, %arg3: memref<32x4x128xi32, #tpu.memory_space<hbm>>, %arg4: memref<64x1000000xf32, #tpu.memory_space<hbm>>, %arg5: memref<16384x128xf32, #tpu.memory_space<hbm>>, %arg6: memref<512xi32, #tpu.memory_space<vmem>>, %arg7: memref<512xi32, #tpu.memory_space<smem>>, %arg8: memref<4x128xi32, #tpu.memory_space<vmem>>, %arg9: memref<7x64x128xf32, #tpu.memory_space<vmem>>, %arg10: memref<512x128xf32, #tpu.memory_space<vmem>>, %arg11: memref<!tpu.dma_semaphore, #tpu.memory_space<semaphore_mem>>, %arg12: memref<!tpu.dma_semaphore, #tpu.memory_space<semaphore_mem>>) attributes {dimension_semantics = [#tpu.dimension_semantics<core_parallel>, #tpu.dimension_semantics<subcore_parallel>], iteration_bounds = array<i64: 2, 16>, scalar_prefetch = 0 : i64, scratch_operands = 7 : i64, tpu.core_type = #tpu.core_type<sc_vector_subcore>, window_params = [{transform_indices = #map}, {transform_indices = #map1}, {transform_indices = #map2}, {transform_indices = #map2}]} {
    %mul3A = arith.constant 2 : i32
    %mul3A_0 = arith.muli %arg1, %mul3A : i32
    %add3A = arith.addi %mul3A_0, %arg0 : i32
    %mul3A_1 = arith.constant 512 : i32
    %mul3A_2 = arith.muli %add3A, %mul3A_1 : i32
    "tpu.region"() ({
      %run_scoped3A = tpu.sem_alloc : memref<!tpu.dma_semaphore, #tpu.memory_space<semaphore_mem>>
      %dma_start3A_95 = tpu.memref_slice %arg2[%mul3A_2] : memref<16384xi32, #tpu.memory_space<hbm>> -> memref<512xi32, #tpu.memory_space<hbm>>
      %dma_start3A_96 = tpu.memref_slice %arg2[%mul3A_2] : memref<16384xi32, #tpu.memory_space<hbm>> -> memref<512xi32, #tpu.memory_space<hbm>>
      tpu.enqueue_dma source(%dma_start3A_96 : memref<512xi32, #tpu.memory_space<hbm>>) target(%arg6 : memref<512xi32, #tpu.memory_space<vmem>>) target_semaphore(%run_scoped3A : memref<!tpu.dma_semaphore, #tpu.memory_space<semaphore_mem>>)
      %dma_wait3A_97 = tpu.memref_slice %arg2[%mul3A_2] : memref<16384xi32, #tpu.memory_space<hbm>> -> memref<512xi32, #tpu.memory_space<hbm>>
      %dma_wait3A_98 = tpu.memref_slice %arg2[%mul3A_2] : memref<16384xi32, #tpu.memory_space<hbm>> -> memref<512xi32, #tpu.memory_space<hbm>>
      tpu.wait_dma2 semaphore(%run_scoped3A : memref<!tpu.dma_semaphore, #tpu.memory_space<semaphore_mem>>) src(%dma_wait3A_98 : memref<512xi32, #tpu.memory_space<hbm>>) dst(%arg6 : memref<512xi32, #tpu.memory_space<vmem>>)
      tpu.yield
    }) : () -> ()
    "tpu.region"() ({
      %run_scoped3A = tpu.sem_alloc : memref<!tpu.dma_semaphore, #tpu.memory_space<semaphore_mem>>
      %dma_start3A_95 = arith.constant 0 : i32
      %dma_start3A_96 = arith.constant 0 : i32
      %dma_start3A_97 = tpu.memref_slice %arg3[%add3A, %dma_start3A_95, %dma_start3A_96] : memref<32x4x128xi32, #tpu.memory_space<hbm>> -> memref<1x4x128xi32, #tpu.memory_space<hbm>>
      %dma_start3A_98 = tpu.memref_squeeze %dma_start3A_97 : memref<1x4x128xi32, #tpu.memory_space<hbm>> -> memref<4x128xi32, #tpu.memory_space<hbm>>
      %dma_start3A_99 = arith.constant 0 : i32
      %dma_start3A_100 = arith.constant 0 : i32
      %dma_start3A_101 = tpu.memref_slice %arg3[%add3A, %dma_start3A_99, %dma_start3A_100] : memref<32x4x128xi32, #tpu.memory_space<hbm>> -> memref<1x4x128xi32, #tpu.memory_space<hbm>>
      %dma_start3A_102 = tpu.memref_squeeze %dma_start3A_101 : memref<1x4x128xi32, #tpu.memory_space<hbm>> -> memref<4x128xi32, #tpu.memory_space<hbm>>
      tpu.enqueue_dma source(%dma_start3A_102 : memref<4x128xi32, #tpu.memory_space<hbm>>) target(%arg8 : memref<4x128xi32, #tpu.memory_space<vmem>>) target_semaphore(%run_scoped3A : memref<!tpu.dma_semaphore, #tpu.memory_space<semaphore_mem>>)
      %dma_wait3A_103 = arith.constant 0 : i32
      %dma_wait3A_104 = arith.constant 0 : i32
      %dma_wait3A_105 = tpu.memref_slice %arg3[%add3A, %dma_wait3A_103, %dma_wait3A_104] : memref<32x4x128xi32, #tpu.memory_space<hbm>> -> memref<1x4x128xi32, #tpu.memory_space<hbm>>
      %dma_wait3A_106 = tpu.memref_squeeze %dma_wait3A_105 : memref<1x4x128xi32, #tpu.memory_space<hbm>> -> memref<4x128xi32, #tpu.memory_space<hbm>>
      %dma_wait3A_107 = arith.constant 0 : i32
      %dma_wait3A_108 = arith.constant 0 : i32
      %dma_wait3A_109 = tpu.memref_slice %arg3[%add3A, %dma_wait3A_107, %dma_wait3A_108] : memref<32x4x128xi32, #tpu.memory_space<hbm>> -> memref<1x4x128xi32, #tpu.memory_space<hbm>>
      %dma_wait3A_110 = tpu.memref_squeeze %dma_wait3A_109 : memref<1x4x128xi32, #tpu.memory_space<hbm>> -> memref<4x128xi32, #tpu.memory_space<hbm>>
      tpu.wait_dma2 semaphore(%run_scoped3A : memref<!tpu.dma_semaphore, #tpu.memory_space<semaphore_mem>>) src(%dma_wait3A_110 : memref<4x128xi32, #tpu.memory_space<hbm>>) dst(%arg8 : memref<4x128xi32, #tpu.memory_space<vmem>>)
      tpu.yield
    }) : () -> ()
    %scan3A = arith.constant 0 : i32
    %scan3A_3 = arith.constant 0 : i32
    %scan3A_4 = arith.constant 32 : i32
    %scan3A_5 = arith.addi %scan3A_3, %scan3A_4 : i32
    %scan3A_6 = arith.constant 1 : i32
    scf.for %scan3A_95 = %scan3A_3 to %scan3A_5 step %scan3A_6  : i32 {
      %mul3A_96 = arith.constant 16 : i32
      %mul3A_97 = arith.muli %mul3A_96, %scan3A_95 : i32
      %get3A = arith.index_cast %mul3A_97 : i32 to index
      %get3A_98 = tpu.vector_load %arg6[%get3A] {strides = array<i32>} : memref<512xi32, #tpu.memory_space<vmem>>, vector<16xi32>,
      %slice3A = vector.extract_strided_slice %get3A_98 {offsets = [0], sizes = [1], strides = [1]} : vector<16xi32> to vector<1xi32>
      %squeeze3A = vector.extract %slice3A[0] : i32 from vector<1xi32>
      %mul3A_99 = arith.constant 16 : i32
      %mul3A_100 = arith.muli %mul3A_99, %scan3A_95 : i32
      %add3A_101 = arith.constant 0 : i32
      %add3A_102 = arith.addi %mul3A_100, %add3A_101 : i32
      %swap3A = arith.index_cast %add3A_102 : i32 to index
      %swap3A_103 = memref.load %arg7[%swap3A] : memref<512xi32, #tpu.memory_space<smem>>
      memref.store %squeeze3A, %arg7[%swap3A] : memref<512xi32, #tpu.memory_space<smem>>
      %slice3A_104 = vector.extract_strided_slice %get3A_98 {offsets = [1], sizes = [1], strides = [1]} : vector<16xi32> to vector<1xi32>
      %squeeze3A_105 = vector.extract %slice3A_104[0] : i32 from vector<1xi32>
      %mul3A_106 = arith.constant 16 : i32
      %mul3A_107 = arith.muli %mul3A_106, %scan3A_95 : i32
      %add3A_108 = arith.constant 1 : i32
      %add3A_109 = arith.addi %mul3A_107, %add3A_108 : i32
      %swap3A_110 = arith.index_cast %add3A_109 : i32 to index
      %swap3A_111 = memref.load %arg7[%swap3A_110] : memref<512xi32, #tpu.memory_space<smem>>
      memref.store %squeeze3A_105, %arg7[%swap3A_110] : memref<512xi32, #tpu.memory_space<smem>>
      %slice3A_112 = vector.extract_strided_slice %get3A_98 {offsets = [2], sizes = [1], strides = [1]} : vector<16xi32> to vector<1xi32>
      %squeeze3A_113 = vector.extract %slice3A_112[0] : i32 from vector<1xi32>
      %mul3A_114 = arith.constant 16 : i32
      %mul3A_115 = arith.muli %mul3A_114, %scan3A_95 : i32
      %add3A_116 = arith.constant 2 : i32
      %add3A_117 = arith.addi %mul3A_115, %add3A_116 : i32
      %swap3A_118 = arith.index_cast %add3A_117 : i32 to index
      %swap3A_119 = memref.load %arg7[%swap3A_118] : memref<512xi32, #tpu.memory_space<smem>>
      memref.store %squeeze3A_113, %arg7[%swap3A_118] : memref<512xi32, #tpu.memory_space<smem>>
      %slice3A_120 = vector.extract_strided_slice %get3A_98 {offsets = [3], sizes = [1], strides = [1]} : vector<16xi32> to vector<1xi32>
      %squeeze3A_121 = vector.extract %slice3A_120[0] : i32 from vector<1xi32>
      %mul3A_122 = arith.constant 16 : i32
      %mul3A_123 = arith.muli %mul3A_122, %scan3A_95 : i32
      %add3A_124 = arith.constant 3 : i32
      %add3A_125 = arith.addi %mul3A_123, %add3A_124 : i32
      %swap3A_126 = arith.index_cast %add3A_125 : i32 to index
      %swap3A_127 = memref.load %arg7[%swap3A_126] : memref<512xi32, #tpu.memory_space<smem>>
      memref.store %squeeze3A_121, %arg7[%swap3A_126] : memref<512xi32, #tpu.memory_space<smem>>
      %slice3A_128 = vector.extract_strided_slice %get3A_98 {offsets = [4], sizes = [1], strides = [1]} : vector<16xi32> to vector<1xi32>
      %squeeze3A_129 = vector.extract %slice3A_128[0] : i32 from vector<1xi32>
      %mul3A_130 = arith.constant 16 : i32
      %mul3A_131 = arith.muli %mul3A_130, %scan3A_95 : i32
      %add3A_132 = arith.constant 4 : i32
      %add3A_133 = arith.addi %mul3A_131, %add3A_132 : i32
      %swap3A_134 = arith.index_cast %add3A_133 : i32 to index
      %swap3A_135 = memref.load %arg7[%swap3A_134] : memref<512xi32, #tpu.memory_space<smem>>
      memref.store %squeeze3A_129, %arg7[%swap3A_134] : memref<512xi32, #tpu.memory_space<smem>>
      %slice3A_136 = vector.extract_strided_slice %get3A_98 {offsets = [5], sizes = [1], strides = [1]} : vector<16xi32> to vector<1xi32>
      %squeeze3A_137 = vector.extract %slice3A_136[0] : i32 from vector<1xi32>
      %mul3A_138 = arith.constant 16 : i32
      %mul3A_139 = arith.muli %mul3A_138, %scan3A_95 : i32
      %add3A_140 = arith.constant 5 : i32
      %add3A_141 = arith.addi %mul3A_139, %add3A_140 : i32
      %swap3A_142 = arith.index_cast %add3A_141 : i32 to index
      %swap3A_143 = memref.load %arg7[%swap3A_142] : memref<512xi32, #tpu.memory_space<smem>>
      memref.store %squeeze3A_137, %arg7[%swap3A_142] : memref<512xi32, #tpu.memory_space<smem>>
      %slice3A_144 = vector.extract_strided_slice %get3A_98 {offsets = [6], sizes = [1], strides = [1]} : vector<16xi32> to vector<1xi32>
      %squeeze3A_145 = vector.extract %slice3A_144[0] : i32 from vector<1xi32>
      %mul3A_146 = arith.constant 16 : i32
      %mul3A_147 = arith.muli %mul3A_146, %scan3A_95 : i32
      %add3A_148 = arith.constant 6 : i32
      %add3A_149 = arith.addi %mul3A_147, %add3A_148 : i32
      %swap3A_150 = arith.index_cast %add3A_149 : i32 to index
      %swap3A_151 = memref.load %arg7[%swap3A_150] : memref<512xi32, #tpu.memory_space<smem>>
      memref.store %squeeze3A_145, %arg7[%swap3A_150] : memref<512xi32, #tpu.memory_space<smem>>
      %slice3A_152 = vector.extract_strided_slice %get3A_98 {offsets = [7], sizes = [1], strides = [1]} : vector<16xi32> to vector<1xi32>
      %squeeze3A_153 = vector.extract %slice3A_152[0] : i32 from vector<1xi32>
      %mul3A_154 = arith.constant 16 : i32
      %mul3A_155 = arith.muli %mul3A_154, %scan3A_95 : i32
      %add3A_156 = arith.constant 7 : i32
      %add3A_157 = arith.addi %mul3A_155, %add3A_156 : i32
      %swap3A_158 = arith.index_cast %add3A_157 : i32 to index
      %swap3A_159 = memref.load %arg7[%swap3A_158] : memref<512xi32, #tpu.memory_space<smem>>
      memref.store %squeeze3A_153, %arg7[%swap3A_158] : memref<512xi32, #tpu.memory_space<smem>>
      %slice3A_160 = vector.extract_strided_slice %get3A_98 {offsets = [8], sizes = [1], strides = [1]} : vector<16xi32> to vector<1xi32>
      %squeeze3A_161 = vector.extract %slice3A_160[0] : i32 from vector<1xi32>
      %mul3A_162 = arith.constant 16 : i32
      %mul3A_163 = arith.muli %mul3A_162, %scan3A_95 : i32
      %add3A_164 = arith.constant 8 : i32
      %add3A_165 = arith.addi %mul3A_163, %add3A_164 : i32
      %swap3A_166 = arith.index_cast %add3A_165 : i32 to index
      %swap3A_167 = memref.load %arg7[%swap3A_166] : memref<512xi32, #tpu.memory_space<smem>>
      memref.store %squeeze3A_161, %arg7[%swap3A_166] : memref<512xi32, #tpu.memory_space<smem>>
      %slice3A_168 = vector.extract_strided_slice %get3A_98 {offsets = [9], sizes = [1], strides = [1]} : vector<16xi32> to vector<1xi32>
      %squeeze3A_169 = vector.extract %slice3A_168[0] : i32 from vector<1xi32>
      %mul3A_170 = arith.constant 16 : i32
      %mul3A_171 = arith.muli %mul3A_170, %scan3A_95 : i32
      %add3A_172 = arith.constant 9 : i32
      %add3A_173 = arith.addi %mul3A_171, %add3A_172 : i32
      %swap3A_174 = arith.index_cast %add3A_173 : i32 to index
      %swap3A_175 = memref.load %arg7[%swap3A_174] : memref<512xi32, #tpu.memory_space<smem>>
      memref.store %squeeze3A_169, %arg7[%swap3A_174] : memref<512xi32, #tpu.memory_space<smem>>
      %slice3A_176 = vector.extract_strided_slice %get3A_98 {offsets = [10], sizes = [1], strides = [1]} : vector<16xi32> to vector<1xi32>
      %squeeze3A_177 = vector.extract %slice3A_176[0] : i32 from vector<1xi32>
      %mul3A_178 = arith.constant 16 : i32
      %mul3A_179 = arith.muli %mul3A_178, %scan3A_95 : i32
      %add3A_180 = arith.constant 10 : i32
      %add3A_181 = arith.addi %mul3A_179, %add3A_180 : i32
      %swap3A_182 = arith.index_cast %add3A_181 : i32 to index
      %swap3A_183 = memref.load %arg7[%swap3A_182] : memref<512xi32, #tpu.memory_space<smem>>
      memref.store %squeeze3A_177, %arg7[%swap3A_182] : memref<512xi32, #tpu.memory_space<smem>>
      %slice3A_184 = vector.extract_strided_slice %get3A_98 {offsets = [11], sizes = [1], strides = [1]} : vector<16xi32> to vector<1xi32>
      %squeeze3A_185 = vector.extract %slice3A_184[0] : i32 from vector<1xi32>
      %mul3A_186 = arith.constant 16 : i32
      %mul3A_187 = arith.muli %mul3A_186, %scan3A_95 : i32
      %add3A_188 = arith.constant 11 : i32
      %add3A_189 = arith.addi %mul3A_187, %add3A_188 : i32
      %swap3A_190 = arith.index_cast %add3A_189 : i32 to index
      %swap3A_191 = memref.load %arg7[%swap3A_190] : memref<512xi32, #tpu.memory_space<smem>>
      memref.store %squeeze3A_185, %arg7[%swap3A_190] : memref<512xi32, #tpu.memory_space<smem>>
      %slice3A_192 = vector.extract_strided_slice %get3A_98 {offsets = [12], sizes = [1], strides = [1]} : vector<16xi32> to vector<1xi32>
      %squeeze3A_193 = vector.extract %slice3A_192[0] : i32 from vector<1xi32>
      %mul3A_194 = arith.constant 16 : i32
      %mul3A_195 = arith.muli %mul3A_194, %scan3A_95 : i32
      %add3A_196 = arith.constant 12 : i32
      %add3A_197 = arith.addi %mul3A_195, %add3A_196 : i32
      %swap3A_198 = arith.index_cast %add3A_197 : i32 to index
      %swap3A_199 = memref.load %arg7[%swap3A_198] : memref<512xi32, #tpu.memory_space<smem>>
      memref.store %squeeze3A_193, %arg7[%swap3A_198] : memref<512xi32, #tpu.memory_space<smem>>
      %slice3A_200 = vector.extract_strided_slice %get3A_98 {offsets = [13], sizes = [1], strides = [1]} : vector<16xi32> to vector<1xi32>
      %squeeze3A_201 = vector.extract %slice3A_200[0] : i32 from vector<1xi32>
      %mul3A_202 = arith.constant 16 : i32
      %mul3A_203 = arith.muli %mul3A_202, %scan3A_95 : i32
      %add3A_204 = arith.constant 13 : i32
      %add3A_205 = arith.addi %mul3A_203, %add3A_204 : i32
      %swap3A_206 = arith.index_cast %add3A_205 : i32 to index
      %swap3A_207 = memref.load %arg7[%swap3A_206] : memref<512xi32, #tpu.memory_space<smem>>
      memref.store %squeeze3A_201, %arg7[%swap3A_206] : memref<512xi32, #tpu.memory_space<smem>>
      %slice3A_208 = vector.extract_strided_slice %get3A_98 {offsets = [14], sizes = [1], strides = [1]} : vector<16xi32> to vector<1xi32>
      %squeeze3A_209 = vector.extract %slice3A_208[0] : i32 from vector<1xi32>
      %mul3A_210 = arith.constant 16 : i32
      %mul3A_211 = arith.muli %mul3A_210, %scan3A_95 : i32
      %add3A_212 = arith.constant 14 : i32
      %add3A_213 = arith.addi %mul3A_211, %add3A_212 : i32
      %swap3A_214 = arith.index_cast %add3A_213 : i32 to index
      %swap3A_215 = memref.load %arg7[%swap3A_214] : memref<512xi32, #tpu.memory_space<smem>>
      memref.store %squeeze3A_209, %arg7[%swap3A_214] : memref<512xi32, #tpu.memory_space<smem>>
      %slice3A_216 = vector.extract_strided_slice %get3A_98 {offsets = [15], sizes = [1], strides = [1]} : vector<16xi32> to vector<1xi32>
      %squeeze3A_217 = vector.extract %slice3A_216[0] : i32 from vector<1xi32>
      %mul3A_218 = arith.constant 16 : i32
      %mul3A_219 = arith.muli %mul3A_218, %scan3A_95 : i32
      %add3A_220 = arith.constant 15 : i32
      %add3A_221 = arith.addi %mul3A_219, %add3A_220 : i32
      %swap3A_222 = arith.index_cast %add3A_221 : i32 to index
      %swap3A_223 = memref.load %arg7[%swap3A_222] : memref<512xi32, #tpu.memory_space<smem>>
      memref.store %squeeze3A_217, %arg7[%swap3A_222] : memref<512xi32, #tpu.memory_space<smem>>
    }
    %scan3A_7 = arith.constant 32 : i32
    %scan3A_8 = arith.constant 0 : i32
    %scan3A_9 = arith.constant 0 : i32
    %scan3A_10 = arith.constant 0 : i32
    %scan3A_11 = arith.constant 0 : i32
    %scan3A_12 = arith.constant 512 : i32
    %scan3A_13 = arith.addi %scan3A_11, %scan3A_12 : i32
    %scan3A_14 = arith.constant 1 : i32
    %scan3A_15:3 = scf.for %scan3A_95 = %scan3A_11 to %scan3A_13 step %scan3A_14 iter_args(%scan3A_96 = %scan3A_8, %scan3A_97 = %scan3A_9, %scan3A_98 = %scan3A_10) -> (i32, i32, i32)  : i32 {
      %while3A:2 = scf.while (%while3A_173 = %scan3A_96, %while3A_174 = %scan3A_97) : (i32, i32) -> (i32, i32) {
        %lt3A_175 = arith.constant 512 : i32
        %lt3A_176 = arith.cmpi slt, %while3A_173, %lt3A_175 : i32
        %le3A = arith.cmpi sle, %while3A_173, %scan3A_95 : i32
        %sub3A_177 = arith.subi %while3A_174, %scan3A_98 : i32
        %lt3A_178 = arith.constant 6 : i32
        %lt3A_179 = arith.cmpi slt, %sub3A_177, %lt3A_178 : i32
        %or3A_180 = arith.ori %le3A, %lt3A_179 : i1
        %and3A_181 = arith.andi %lt3A_176, %or3A_180 : i1
        scf.condition(%and3A_181) %while3A_173, %while3A_174 : i32, i32
      } do {
      ^bb0(%while3A_173: i32, %while3A_174: i32):
        %eq3A_175 = arith.constant 0 : i32
        %eq3A_176 = arith.cmpi eq, %while3A_173, %eq3A_175 : i32
        %sub3A_177 = arith.constant 1 : i32
        %sub3A_178 = arith.subi %while3A_173, %sub3A_177 : i32
        %max3A_179 = arith.constant 0 : i32
        %max3A_180 = arith.maxsi %sub3A_178, %max3A_179 : i32
        %get3A_181 = arith.index_cast %max3A_180 : i32 to index
        %get3A_182 = memref.load %arg7[%get3A_181] : memref<512xi32, #tpu.memory_space<smem>>
        %shift_right_arithmetic3A_183 = arith.constant 7 : i32
        %shift_right_arithmetic3A_184 = arith.shrsi %get3A_182, %shift_right_arithmetic3A_183 : i32
        %get3A_185 = arith.index_cast %while3A_173 : i32 to index
        %get3A_186 = memref.load %arg7[%get3A_185] : memref<512xi32, #tpu.memory_space<smem>>
        %shift_right_arithmetic3A_187 = arith.constant 7 : i32
        %shift_right_arithmetic3A_188 = arith.shrsi %get3A_186, %shift_right_arithmetic3A_187 : i32
        %ne3A_189 = arith.cmpi ne, %shift_right_arithmetic3A_188, %shift_right_arithmetic3A_184 : i32
        %or3A_190 = arith.ori %eq3A_176, %ne3A_189 : i1
        %convert_element_type3A_191 = arith.extui %or3A_190 : i1 to i32
        %cond3A_192 = arith.constant 0 : i32
        %cond3A_193 = arith.cmpi ne, %convert_element_type3A_191, %cond3A_192 : i32
        scf.if %cond3A_193 {
          %jit3A_198 = arith.constant 7 : i32
          %eq3A_199 = arith.constant 0 : i32
          %eq3A_200 = arith.cmpi eq, %jit3A_198, %eq3A_199 : i32
          %jit3A_201 = arith.constant 1 : i32
          %select_n3A_202 = arith.select %eq3A_200, %jit3A_201, %jit3A_198 : i32
          %rem3A_203 = arith.remsi %while3A_174, %select_n3A_202 : i32
          %ne3A_204 = arith.constant 0 : i32
          %ne3A_205 = arith.cmpi ne, %rem3A_203, %ne3A_204 : i32
          %lt3A_206 = arith.constant 0 : i32
          %lt3A_207 = arith.cmpi slt, %rem3A_203, %lt3A_206 : i32
          %lt3A_208 = arith.constant 0 : i32
          %lt3A_209 = arith.cmpi slt, %select_n3A_202, %lt3A_208 : i32
          %ne3A_210 = arith.xori %lt3A_207, %lt3A_209 : i1
          %and3A_211 = arith.andi %ne3A_210, %ne3A_205 : i1
          %add3A_212 = arith.addi %rem3A_203, %select_n3A_202 : i32
          %select_n3A_213 = arith.select %and3A_211, %add3A_212, %rem3A_203 : i32
          %get3A_214 = arith.index_cast %while3A_173 : i32 to index
          %get3A_215 = memref.load %arg7[%get3A_214] : memref<512xi32, #tpu.memory_space<smem>>
          %shift_right_arithmetic3A_216 = arith.constant 7 : i32
          %shift_right_arithmetic3A_217 = arith.shrsi %get3A_215, %shift_right_arithmetic3A_216 : i32
          %shift_left3A = arith.constant 7 : i32
          %shift_left3A_218 = arith.shli %shift_right_arithmetic3A_217, %shift_left3A : i32
          %multiple_of3A = tpu.assume_multiple %shift_left3A_218, 128 : i32
          %dma_start3A_219 = arith.constant 0 : i32
          %dma_start3A_220 = arith.constant 0 : i32
          %dma_start3A_221 = tpu.memref_slice %arg9[%select_n3A_213, %dma_start3A_219, %dma_start3A_220] : memref<7x64x128xf32, #tpu.memory_space<vmem>> -> memref<1x64x128xf32, #tpu.memory_space<vmem>>
          %dma_start3A_222 = tpu.memref_squeeze %dma_start3A_221 : memref<1x64x128xf32, #tpu.memory_space<vmem>> -> memref<64x128xf32, #tpu.memory_space<vmem>>
          %dma_start3A_223 = arith.constant 0 : i32
          %dma_start3A_224 = tpu.memref_slice %arg4[%dma_start3A_223, %multiple_of3A] : memref<64x1000000xf32, #tpu.memory_space<hbm>> -> memref<64x128xf32, #tpu.memory_space<hbm>>
          %dma_start3A_225 = arith.constant 0 : i32
          %dma_start3A_226 = arith.constant 0 : i32
          %dma_start3A_227 = tpu.memref_slice %arg9[%select_n3A_213, %dma_start3A_225, %dma_start3A_226] : memref<7x64x128xf32, #tpu.memory_space<vmem>> -> memref<1x64x128xf32, #tpu.memory_space<vmem>>
          %dma_start3A_228 = tpu.memref_squeeze %dma_start3A_227 : memref<1x64x128xf32, #tpu.memory_space<vmem>> -> memref<64x128xf32, #tpu.memory_space<vmem>>
          %dma_start3A_229 = arith.constant 0 : i32
          %dma_start3A_230 = tpu.memref_slice %arg4[%dma_start3A_229, %multiple_of3A] : memref<64x1000000xf32, #tpu.memory_space<hbm>> -> memref<64x128xf32, #tpu.memory_space<hbm>>
          tpu.enqueue_dma source(%dma_start3A_230 : memref<64x128xf32, #tpu.memory_space<hbm>>) target(%dma_start3A_228 : memref<64x128xf32, #tpu.memory_space<vmem>>) target_semaphore(%arg11 : memref<!tpu.dma_semaphore, #tpu.memory_space<semaphore_mem>>)
        } else {
        }
        %add3A_194 = arith.constant 1 : i32
        %add3A_195 = arith.addi %while3A_173, %add3A_194 : i32
        %convert_element_type3A_196 = arith.extui %or3A_190 : i1 to i32
        %add3A_197 = arith.addi %while3A_174, %convert_element_type3A_196 : i32
        scf.yield %add3A_195, %add3A_197 : i32, i32
      }
      %eq3A = arith.constant 0 : i32
      %eq3A_99 = arith.cmpi eq, %scan3A_95, %eq3A : i32
      %sub3A = arith.constant 1 : i32
      %sub3A_100 = arith.subi %scan3A_95, %sub3A : i32
      %max3A = arith.constant 0 : i32
      %max3A_101 = arith.maxsi %sub3A_100, %max3A : i32
      %get3A = arith.index_cast %max3A_101 : i32 to index
      %get3A_102 = memref.load %arg7[%get3A] : memref<512xi32, #tpu.memory_space<smem>>
      %shift_right_arithmetic3A = arith.constant 7 : i32
      %shift_right_arithmetic3A_103 = arith.shrsi %get3A_102, %shift_right_arithmetic3A : i32
      %get3A_104 = arith.index_cast %scan3A_95 : i32 to index
      %get3A_105 = memref.load %arg7[%get3A_104] : memref<512xi32, #tpu.memory_space<smem>>
      %shift_right_arithmetic3A_106 = arith.constant 7 : i32
      %shift_right_arithmetic3A_107 = arith.shrsi %get3A_105, %shift_right_arithmetic3A_106 : i32
      %ne3A = arith.cmpi ne, %shift_right_arithmetic3A_107, %shift_right_arithmetic3A_103 : i32
      %or3A = arith.ori %eq3A_99, %ne3A : i1
      %convert_element_type3A = arith.extui %or3A : i1 to i32
      %add3A_108 = arith.addi %scan3A_98, %convert_element_type3A : i32
      %sub3A_109 = arith.constant 1 : i32
      %sub3A_110 = arith.subi %add3A_108, %sub3A_109 : i32
      %jit3A = arith.constant 7 : i32
      %eq3A_111 = arith.constant 0 : i32
      %eq3A_112 = arith.cmpi eq, %jit3A, %eq3A_111 : i32
      %jit3A_113 = arith.constant 1 : i32
      %select_n3A = arith.select %eq3A_112, %jit3A_113, %jit3A : i32
      %rem3A = arith.remsi %sub3A_110, %select_n3A : i32
      %ne3A_114 = arith.constant 0 : i32
      %ne3A_115 = arith.cmpi ne, %rem3A, %ne3A_114 : i32
      %lt3A = arith.constant 0 : i32
      %lt3A_116 = arith.cmpi slt, %rem3A, %lt3A : i32
      %lt3A_117 = arith.constant 0 : i32
      %lt3A_118 = arith.cmpi slt, %select_n3A, %lt3A_117 : i32
      %ne3A_119 = arith.xori %lt3A_116, %lt3A_118 : i1
      %and3A = arith.andi %ne3A_119, %ne3A_115 : i1
      %add3A_120 = arith.addi %rem3A, %select_n3A : i32
      %select_n3A_121 = arith.select %and3A, %add3A_120, %rem3A : i32
      %convert_element_type3A_122 = arith.extui %or3A : i1 to i32
      %cond3A = arith.constant 0 : i32
      %cond3A_123 = arith.cmpi ne, %convert_element_type3A_122, %cond3A : i32
      scf.if %cond3A_123 {
        %get3A_173 = arith.index_cast %scan3A_95 : i32 to index
        %get3A_174 = memref.load %arg7[%get3A_173] : memref<512xi32, #tpu.memory_space<smem>>
        %shift_right_arithmetic3A_175 = arith.constant 7 : i32
        %shift_right_arithmetic3A_176 = arith.shrsi %get3A_174, %shift_right_arithmetic3A_175 : i32
        %shift_left3A = arith.constant 7 : i32
        %shift_left3A_177 = arith.shli %shift_right_arithmetic3A_176, %shift_left3A : i32
        %multiple_of3A = tpu.assume_multiple %shift_left3A_177, 128 : i32
        %dma_wait3A_178 = arith.constant 0 : i32
        %dma_wait3A_179 = arith.constant 0 : i32
        %dma_wait3A_180 = tpu.memref_slice %arg9[%select_n3A_121, %dma_wait3A_178, %dma_wait3A_179] : memref<7x64x128xf32, #tpu.memory_space<vmem>> -> memref<1x64x128xf32, #tpu.memory_space<vmem>>
        %dma_wait3A_181 = tpu.memref_squeeze %dma_wait3A_180 : memref<1x64x128xf32, #tpu.memory_space<vmem>> -> memref<64x128xf32, #tpu.memory_space<vmem>>
        %dma_wait3A_182 = arith.constant 0 : i32
        %dma_wait3A_183 = tpu.memref_slice %arg4[%dma_wait3A_182, %multiple_of3A] : memref<64x1000000xf32, #tpu.memory_space<hbm>> -> memref<64x128xf32, #tpu.memory_space<hbm>>
        %dma_wait3A_184 = arith.constant 0 : i32
        %dma_wait3A_185 = arith.constant 0 : i32
        %dma_wait3A_186 = tpu.memref_slice %arg9[%select_n3A_121, %dma_wait3A_184, %dma_wait3A_185] : memref<7x64x128xf32, #tpu.memory_space<vmem>> -> memref<1x64x128xf32, #tpu.memory_space<vmem>>
        %dma_wait3A_187 = tpu.memref_squeeze %dma_wait3A_186 : memref<1x64x128xf32, #tpu.memory_space<vmem>> -> memref<64x128xf32, #tpu.memory_space<vmem>>
        %dma_wait3A_188 = arith.constant 0 : i32
        %dma_wait3A_189 = tpu.memref_slice %arg4[%dma_wait3A_188, %multiple_of3A] : memref<64x1000000xf32, #tpu.memory_space<hbm>> -> memref<64x128xf32, #tpu.memory_space<hbm>>
        tpu.wait_dma2 semaphore(%arg11 : memref<!tpu.dma_semaphore, #tpu.memory_space<semaphore_mem>>) src(%dma_wait3A_189 : memref<64x128xf32, #tpu.memory_space<hbm>>) dst(%dma_wait3A_187 : memref<64x128xf32, #tpu.memory_space<vmem>>)
      } else {
      }
      %get3A_124 = arith.index_cast %scan3A_95 : i32 to index
      %get3A_125 = memref.load %arg7[%get3A_124] : memref<512xi32, #tpu.memory_space<smem>>
      %and3A_126 = arith.constant 127 : i32
      %and3A_127 = arith.andi %get3A_125, %and3A_126 : i32
      %broadcast_in_dim3A = vector.broadcast %and3A_127 : i32 to vector<16xi32>
      %iota3A = tpu.iota {dimensions = array<i32: 0>} : vector<16xi32>
      %add3A_128 = arith.constant 0 : i32
      %add3A_129 = vector.broadcast %add3A_128 : i32 to vector<16xi32>
      %add3A_130 = arith.addi %iota3A, %add3A_129 : vector<16xi32>
      %gather3A = arith.constant 0 : i32
      %gather3A_131 = arith.constant 0 : i32
      %gather3A_132 = tpu.memref_slice %arg9[%select_n3A_121, %gather3A, %gather3A_131] : memref<7x64x128xf32, #tpu.memory_space<vmem>> -> memref<1x64x128xf32, #tpu.memory_space<vmem>>
      %gather3A_133 = tpu.memref_squeeze %gather3A_132 : memref<1x64x128xf32, #tpu.memory_space<vmem>> -> memref<64x128xf32, #tpu.memory_space<vmem>>
      %gather3A_134 = tpu.vector_load_idx %gather3A_133[%add3A_130, %broadcast_in_dim3A] : memref<64x128xf32, #tpu.memory_space<vmem>>[vector<16xi32>, vector<16xi32>], vector<16xf32>,
      %swap3A = arith.index_cast %scan3A_95 : i32 to index
      %swap3A_135 = arith.constant 0 : index
      %swap3A_136 = tpu.vector_load %arg10[%swap3A, %swap3A_135] {strides = array<i32>} : memref<512x128xf32, #tpu.memory_space<vmem>>, vector<16xf32>,
      tpu.vector_store %arg10[%swap3A, %swap3A_135], %gather3A_134 {strides = array<i32>} : memref<512x128xf32, #tpu.memory_space<vmem>>, vector<16xf32>,
      %iota3A_137 = tpu.iota {dimensions = array<i32: 0>} : vector<16xi32>
      %add3A_138 = arith.constant 16 : i32
      %add3A_139 = vector.broadcast %add3A_138 : i32 to vector<16xi32>
      %add3A_140 = arith.addi %iota3A_137, %add3A_139 : vector<16xi32>
      %gather3A_141 = arith.constant 0 : i32
      %gather3A_142 = arith.constant 0 : i32
      %gather3A_143 = tpu.memref_slice %arg9[%select_n3A_121, %gather3A_141, %gather3A_142] : memref<7x64x128xf32, #tpu.memory_space<vmem>> -> memref<1x64x128xf32, #tpu.memory_space<vmem>>
      %gather3A_144 = tpu.memref_squeeze %gather3A_143 : memref<1x64x128xf32, #tpu.memory_space<vmem>> -> memref<64x128xf32, #tpu.memory_space<vmem>>
      %gather3A_145 = tpu.vector_load_idx %gather3A_144[%add3A_140, %broadcast_in_dim3A] : memref<64x128xf32, #tpu.memory_space<vmem>>[vector<16xi32>, vector<16xi32>], vector<16xf32>,
      %swap3A_146 = arith.index_cast %scan3A_95 : i32 to index
      %swap3A_147 = arith.constant 16 : index
      %swap3A_148 = tpu.vector_load %arg10[%swap3A_146, %swap3A_147] {strides = array<i32>} : memref<512x128xf32, #tpu.memory_space<vmem>>, vector<16xf32>,
      tpu.vector_store %arg10[%swap3A_146, %swap3A_147], %gather3A_145 {strides = array<i32>} : memref<512x128xf32, #tpu.memory_space<vmem>>, vector<16xf32>,
      %iota3A_149 = tpu.iota {dimensions = array<i32: 0>} : vector<16xi32>
      %add3A_150 = arith.constant 32 : i32
      %add3A_151 = vector.broadcast %add3A_150 : i32 to vector<16xi32>
      %add3A_152 = arith.addi %iota3A_149, %add3A_151 : vector<16xi32>
      %gather3A_153 = arith.constant 0 : i32
      %gather3A_154 = arith.constant 0 : i32
      %gather3A_155 = tpu.memref_slice %arg9[%select_n3A_121, %gather3A_153, %gather3A_154] : memref<7x64x128xf32, #tpu.memory_space<vmem>> -> memref<1x64x128xf32, #tpu.memory_space<vmem>>
      %gather3A_156 = tpu.memref_squeeze %gather3A_155 : memref<1x64x128xf32, #tpu.memory_space<vmem>> -> memref<64x128xf32, #tpu.memory_space<vmem>>
      %gather3A_157 = tpu.vector_load_idx %gather3A_156[%add3A_152, %broadcast_in_dim3A] : memref<64x128xf32, #tpu.memory_space<vmem>>[vector<16xi32>, vector<16xi32>], vector<16xf32>,
      %swap3A_158 = arith.index_cast %scan3A_95 : i32 to index
      %swap3A_159 = arith.constant 32 : index
      %swap3A_160 = tpu.vector_load %arg10[%swap3A_158, %swap3A_159] {strides = array<i32>} : memref<512x128xf32, #tpu.memory_space<vmem>>, vector<16xf32>,
      tpu.vector_store %arg10[%swap3A_158, %swap3A_159], %gather3A_157 {strides = array<i32>} : memref<512x128xf32, #tpu.memory_space<vmem>>, vector<16xf32>,
      %iota3A_161 = tpu.iota {dimensions = array<i32: 0>} : vector<16xi32>
      %add3A_162 = arith.constant 48 : i32
      %add3A_163 = vector.broadcast %add3A_162 : i32 to vector<16xi32>
      %add3A_164 = arith.addi %iota3A_161, %add3A_163 : vector<16xi32>
      %gather3A_165 = arith.constant 0 : i32
      %gather3A_166 = arith.constant 0 : i32
      %gather3A_167 = tpu.memref_slice %arg9[%select_n3A_121, %gather3A_165, %gather3A_166] : memref<7x64x128xf32, #tpu.memory_space<vmem>> -> memref<1x64x128xf32, #tpu.memory_space<vmem>>
      %gather3A_168 = tpu.memref_squeeze %gather3A_167 : memref<1x64x128xf32, #tpu.memory_space<vmem>> -> memref<64x128xf32, #tpu.memory_space<vmem>>
      %gather3A_169 = tpu.vector_load_idx %gather3A_168[%add3A_164, %broadcast_in_dim3A] : memref<64x128xf32, #tpu.memory_space<vmem>>[vector<16xi32>, vector<16xi32>], vector<16xf32>,
      %swap3A_170 = arith.index_cast %scan3A_95 : i32 to index
      %swap3A_171 = arith.constant 48 : index
      %swap3A_172 = tpu.vector_load %arg10[%swap3A_170, %swap3A_171] {strides = array<i32>} : memref<512x128xf32, #tpu.memory_space<vmem>>, vector<16xf32>,
      tpu.vector_store %arg10[%swap3A_170, %swap3A_171], %gather3A_169 {strides = array<i32>} : memref<512x128xf32, #tpu.memory_space<vmem>>, vector<16xf32>,
      scf.yield %while3A#0, %while3A#1, %add3A_108 : i32, i32, i32
    }
    %scan3A_16 = arith.constant 512 : i32
    %dma_start3A = arith.constant 0 : i32
    %dma_start3A_17 = arith.constant 0 : i32
    %dma_start3A_18 = arith.constant 0 : i32
    %dma_start3A_19 = tpu.memref_slice %arg10[%dma_start3A_17, %dma_start3A_18] : memref<512x128xf32, #tpu.memory_space<vmem>> -> memref<128x128xf32, #tpu.memory_space<vmem>>
    %dma_start3A_20 = arith.constant 0 : i32
    %dma_start3A_21 = tpu.memref_slice %arg8[%dma_start3A, %dma_start3A_20] : memref<4x128xi32, #tpu.memory_space<vmem>> -> memref<1x128xi32, #tpu.memory_space<vmem>>
    %dma_start3A_22 = tpu.memref_squeeze %dma_start3A_21 : memref<1x128xi32, #tpu.memory_space<vmem>> -> memref<128xi32, #tpu.memory_space<vmem>>
    %dma_start3A_23 = arith.constant 0 : i32
    %dma_start3A_24 = arith.constant 0 : i32
    %dma_start3A_25 = tpu.memref_slice %arg5[%dma_start3A_23, %dma_start3A_24] : memref<16384x128xf32, #tpu.memory_space<hbm>> -> memref<16384x128xf32, #tpu.memory_space<hbm>>
    tpu.enqueue_indirect_dma source(%dma_start3A_19 : memref<128x128xf32, #tpu.memory_space<vmem>>) target(%dma_start3A_25 : memref<16384x128xf32, #tpu.memory_space<hbm>>) offsets(%dma_start3A_22 : memref<128xi32, #tpu.memory_space<vmem>>) semaphore(%arg12 : memref<!tpu.dma_semaphore, #tpu.memory_space<semaphore_mem>>)
    %dma_start3A_26 = arith.constant 1 : i32
    %dma_start3A_27 = arith.constant 128 : i32
    %dma_start3A_28 = arith.constant 0 : i32
    %dma_start3A_29 = tpu.memref_slice %arg10[%dma_start3A_27, %dma_start3A_28] : memref<512x128xf32, #tpu.memory_space<vmem>> -> memref<128x128xf32, #tpu.memory_space<vmem>>
    %dma_start3A_30 = arith.constant 0 : i32
    %dma_start3A_31 = tpu.memref_slice %arg8[%dma_start3A_26, %dma_start3A_30] : memref<4x128xi32, #tpu.memory_space<vmem>> -> memref<1x128xi32, #tpu.memory_space<vmem>>
    %dma_start3A_32 = tpu.memref_squeeze %dma_start3A_31 : memref<1x128xi32, #tpu.memory_space<vmem>> -> memref<128xi32, #tpu.memory_space<vmem>>
    %dma_start3A_33 = arith.constant 0 : i32
    %dma_start3A_34 = arith.constant 0 : i32
    %dma_start3A_35 = tpu.memref_slice %arg5[%dma_start3A_33, %dma_start3A_34] : memref<16384x128xf32, #tpu.memory_space<hbm>> -> memref<16384x128xf32, #tpu.memory_space<hbm>>
    tpu.enqueue_indirect_dma source(%dma_start3A_29 : memref<128x128xf32, #tpu.memory_space<vmem>>) target(%dma_start3A_35 : memref<16384x128xf32, #tpu.memory_space<hbm>>) offsets(%dma_start3A_32 : memref<128xi32, #tpu.memory_space<vmem>>) semaphore(%arg12 : memref<!tpu.dma_semaphore, #tpu.memory_space<semaphore_mem>>)
    %dma_start3A_36 = arith.constant 2 : i32
    %dma_start3A_37 = arith.constant 256 : i32
    %dma_start3A_38 = arith.constant 0 : i32
    %dma_start3A_39 = tpu.memref_slice %arg10[%dma_start3A_37, %dma_start3A_38] : memref<512x128xf32, #tpu.memory_space<vmem>> -> memref<128x128xf32, #tpu.memory_space<vmem>>
    %dma_start3A_40 = arith.constant 0 : i32
    %dma_start3A_41 = tpu.memref_slice %arg8[%dma_start3A_36, %dma_start3A_40] : memref<4x128xi32, #tpu.memory_space<vmem>> -> memref<1x128xi32, #tpu.memory_space<vmem>>
    %dma_start3A_42 = tpu.memref_squeeze %dma_start3A_41 : memref<1x128xi32, #tpu.memory_space<vmem>> -> memref<128xi32, #tpu.memory_space<vmem>>
    %dma_start3A_43 = arith.constant 0 : i32
    %dma_start3A_44 = arith.constant 0 : i32
    %dma_start3A_45 = tpu.memref_slice %arg5[%dma_start3A_43, %dma_start3A_44] : memref<16384x128xf32, #tpu.memory_space<hbm>> -> memref<16384x128xf32, #tpu.memory_space<hbm>>
    tpu.enqueue_indirect_dma source(%dma_start3A_39 : memref<128x128xf32, #tpu.memory_space<vmem>>) target(%dma_start3A_45 : memref<16384x128xf32, #tpu.memory_space<hbm>>) offsets(%dma_start3A_42 : memref<128xi32, #tpu.memory_space<vmem>>) semaphore(%arg12 : memref<!tpu.dma_semaphore, #tpu.memory_space<semaphore_mem>>)
    %dma_start3A_46 = arith.constant 3 : i32
    %dma_start3A_47 = arith.constant 384 : i32
    %dma_start3A_48 = arith.constant 0 : i32
    %dma_start3A_49 = tpu.memref_slice %arg10[%dma_start3A_47, %dma_start3A_48] : memref<512x128xf32, #tpu.memory_space<vmem>> -> memref<128x128xf32, #tpu.memory_space<vmem>>
    %dma_start3A_50 = arith.constant 0 : i32
    %dma_start3A_51 = tpu.memref_slice %arg8[%dma_start3A_46, %dma_start3A_50] : memref<4x128xi32, #tpu.memory_space<vmem>> -> memref<1x128xi32, #tpu.memory_space<vmem>>
    %dma_start3A_52 = tpu.memref_squeeze %dma_start3A_51 : memref<1x128xi32, #tpu.memory_space<vmem>> -> memref<128xi32, #tpu.memory_space<vmem>>
    %dma_start3A_53 = arith.constant 0 : i32
    %dma_start3A_54 = arith.constant 0 : i32
    %dma_start3A_55 = tpu.memref_slice %arg5[%dma_start3A_53, %dma_start3A_54] : memref<16384x128xf32, #tpu.memory_space<hbm>> -> memref<16384x128xf32, #tpu.memory_space<hbm>>
    tpu.enqueue_indirect_dma source(%dma_start3A_49 : memref<128x128xf32, #tpu.memory_space<vmem>>) target(%dma_start3A_55 : memref<16384x128xf32, #tpu.memory_space<hbm>>) offsets(%dma_start3A_52 : memref<128xi32, #tpu.memory_space<vmem>>) semaphore(%arg12 : memref<!tpu.dma_semaphore, #tpu.memory_space<semaphore_mem>>)
    %dma_wait3A = arith.constant 0 : i32
    %dma_wait3A_56 = arith.constant 0 : i32
    %dma_wait3A_57 = arith.constant 0 : i32
    %dma_wait3A_58 = tpu.memref_slice %arg10[%dma_wait3A_56, %dma_wait3A_57] : memref<512x128xf32, #tpu.memory_space<vmem>> -> memref<128x128xf32, #tpu.memory_space<vmem>>
    %dma_wait3A_59 = arith.constant 0 : i32
    %dma_wait3A_60 = tpu.memref_slice %arg8[%dma_wait3A, %dma_wait3A_59] : memref<4x128xi32, #tpu.memory_space<vmem>> -> memref<1x128xi32, #tpu.memory_space<vmem>>
    %dma_wait3A_61 = tpu.memref_squeeze %dma_wait3A_60 : memref<1x128xi32, #tpu.memory_space<vmem>> -> memref<128xi32, #tpu.memory_space<vmem>>
    %dma_wait3A_62 = arith.constant 0 : i32
    %dma_wait3A_63 = arith.constant 0 : i32
    %dma_wait3A_64 = tpu.memref_slice %arg5[%dma_wait3A_62, %dma_wait3A_63] : memref<16384x128xf32, #tpu.memory_space<hbm>> -> memref<16384x128xf32, #tpu.memory_space<hbm>>
    tpu.wait_indirect_dma semaphore(%arg12 : memref<!tpu.dma_semaphore, #tpu.memory_space<semaphore_mem>>) src(%dma_wait3A_58 : memref<128x128xf32, #tpu.memory_space<vmem>>) dst(%dma_wait3A_64 : memref<16384x128xf32, #tpu.memory_space<hbm>>)
    %dma_wait3A_65 = arith.constant 1 : i32
    %dma_wait3A_66 = arith.constant 128 : i32
    %dma_wait3A_67 = arith.constant 0 : i32
    %dma_wait3A_68 = tpu.memref_slice %arg10[%dma_wait3A_66, %dma_wait3A_67] : memref<512x128xf32, #tpu.memory_space<vmem>> -> memref<128x128xf32, #tpu.memory_space<vmem>>
    %dma_wait3A_69 = arith.constant 0 : i32
    %dma_wait3A_70 = tpu.memref_slice %arg8[%dma_wait3A_65, %dma_wait3A_69] : memref<4x128xi32, #tpu.memory_space<vmem>> -> memref<1x128xi32, #tpu.memory_space<vmem>>
    %dma_wait3A_71 = tpu.memref_squeeze %dma_wait3A_70 : memref<1x128xi32, #tpu.memory_space<vmem>> -> memref<128xi32, #tpu.memory_space<vmem>>
    %dma_wait3A_72 = arith.constant 0 : i32
    %dma_wait3A_73 = arith.constant 0 : i32
    %dma_wait3A_74 = tpu.memref_slice %arg5[%dma_wait3A_72, %dma_wait3A_73] : memref<16384x128xf32, #tpu.memory_space<hbm>> -> memref<16384x128xf32, #tpu.memory_space<hbm>>
    tpu.wait_indirect_dma semaphore(%arg12 : memref<!tpu.dma_semaphore, #tpu.memory_space<semaphore_mem>>) src(%dma_wait3A_68 : memref<128x128xf32, #tpu.memory_space<vmem>>) dst(%dma_wait3A_74 : memref<16384x128xf32, #tpu.memory_space<hbm>>)
    %dma_wait3A_75 = arith.constant 2 : i32
    %dma_wait3A_76 = arith.constant 256 : i32
    %dma_wait3A_77 = arith.constant 0 : i32
    %dma_wait3A_78 = tpu.memref_slice %arg10[%dma_wait3A_76, %dma_wait3A_77] : memref<512x128xf32, #tpu.memory_space<vmem>> -> memref<128x128xf32, #tpu.memory_space<vmem>>
    %dma_wait3A_79 = arith.constant 0 : i32
    %dma_wait3A_80 = tpu.memref_slice %arg8[%dma_wait3A_75, %dma_wait3A_79] : memref<4x128xi32, #tpu.memory_space<vmem>> -> memref<1x128xi32, #tpu.memory_space<vmem>>
    %dma_wait3A_81 = tpu.memref_squeeze %dma_wait3A_80 : memref<1x128xi32, #tpu.memory_space<vmem>> -> memref<128xi32, #tpu.memory_space<vmem>>
    %dma_wait3A_82 = arith.constant 0 : i32
    %dma_wait3A_83 = arith.constant 0 : i32
    %dma_wait3A_84 = tpu.memref_slice %arg5[%dma_wait3A_82, %dma_wait3A_83] : memref<16384x128xf32, #tpu.memory_space<hbm>> -> memref<16384x128xf32, #tpu.memory_space<hbm>>
    tpu.wait_indirect_dma semaphore(%arg12 : memref<!tpu.dma_semaphore, #tpu.memory_space<semaphore_mem>>) src(%dma_wait3A_78 : memref<128x128xf32, #tpu.memory_space<vmem>>) dst(%dma_wait3A_84 : memref<16384x128xf32, #tpu.memory_space<hbm>>)
    %dma_wait3A_85 = arith.constant 3 : i32
    %dma_wait3A_86 = arith.constant 384 : i32
    %dma_wait3A_87 = arith.constant 0 : i32
    %dma_wait3A_88 = tpu.memref_slice %arg10[%dma_wait3A_86, %dma_wait3A_87] : memref<512x128xf32, #tpu.memory_space<vmem>> -> memref<128x128xf32, #tpu.memory_space<vmem>>
    %dma_wait3A_89 = arith.constant 0 : i32
    %dma_wait3A_90 = tpu.memref_slice %arg8[%dma_wait3A_85, %dma_wait3A_89] : memref<4x128xi32, #tpu.memory_space<vmem>> -> memref<1x128xi32, #tpu.memory_space<vmem>>
    %dma_wait3A_91 = tpu.memref_squeeze %dma_wait3A_90 : memref<1x128xi32, #tpu.memory_space<vmem>> -> memref<128xi32, #tpu.memory_space<vmem>>
    %dma_wait3A_92 = arith.constant 0 : i32
    %dma_wait3A_93 = arith.constant 0 : i32
    %dma_wait3A_94 = tpu.memref_slice %arg5[%dma_wait3A_92, %dma_wait3A_93] : memref<16384x128xf32, #tpu.memory_space<hbm>> -> memref<16384x128xf32, #tpu.memory_space<hbm>>
    tpu.wait_indirect_dma semaphore(%arg12 : memref<!tpu.dma_semaphore, #tpu.memory_space<semaphore_mem>>) src(%dma_wait3A_88 : memref<128x128xf32, #tpu.memory_space<vmem>>) dst(%dma_wait3A_94 : memref<16384x128xf32, #tpu.memory_space<hbm>>)
    return
  }
}

</mosaic_0001>

<sc_bundles>
// kernel: _sc_gather.3.cloned.1.call-start
scs
__scs_entry_jumppad:
0x0: {  	(pc) =	sbr.rel $0x88, $3  }
0x1: {  	(tag) =	ssettag $0x0;
	lr =	simm.s32 $0x1  }
0x2: {  	[smem:$0x3F9E] =	sst lr;
	_ =	strace $0xD0000000  }
0x3: {  	_ = 	snop  }
0x4: {  	_ = 	snop  }
0x5: {  	_ = 	snop  }
0x6: {  	_ = 	snop  }
0x7: {  	_ = 	snop  }
__scs_overlays_trampoline_lowered:
0x8: {  	[smem:$0x3FAD] =	sst s0  }
0x9: {  	[smem:$0x3FAE] =	sst s1  }
0xa: {  	[smem:$0x3FAF] =	sst s2  }
0xb: {  	[smem:$0x3FB0] =	sst s3  }
0xc: {  	[smem:$0x3FB1] =	sst s4  }
0xd: {  	[smem:$0x3FB2] =	sst s5  }
0xe: {  	[smem:$0x3FB3] =	sst s6  }
0xf: {  	[smem:$0x3FB4] =	sst s7  }
0x10: {  	[smem:$0x3FB5] =	sst s8  }
0x11: {  	[smem:$0x3FB6] =	sst s9;
	s0 =	simm.s32 @!p0 $0x0  }
0x12: {  	s1 =	sld [smem:$0x3F9C];
	s0 =	simm.s32 @p0 $0x1  }
0x13: {  	[smem:$0x3FB7] =	sst s0;
	s0 =	simm.s32 @!p1 $0x0  }
0x14: {  	s2 =	sld [smem:$0x3F9B];
	s0 =	simm.s32 @p1 $0x1  }
0x15: {  	[smem:$0x3FB8] =	sst s0;
	s0 =	simm.s32 @!p2 $0x0  }
0x16: {  	s3 =	sld [smem:$0x3FDB];
	s0 =	simm.s32 @p2 $0x1  }
0x17: {  	s4 =	simm.s32 $0x1BF5;
	[smem:$0x3FBA] =	sst s0  }
0x18: {  	s0 =	sld [smem:$0x3F9D];
	_ =	swait.ge [sflag:s4], $0x0  }
0x19: {  	s7 =	sld [smem:$0x3F9E]  }
0x1a: {  	s8 =	sadd.s32 $0xFFFFE003, lr  }
0x1b: {  	s9 =	sadd.s32 $0xFFFFFEF7, lr;
	s5 =	simm.s32 $0xFFFFFFFF;
	p2 =	slt.u32 s8, $0xFFFFF086  }
0x1c: {  	p1 =	slt.u32 s9, $0xF7A;
	s5 =	simm.s32 @!p2 $0x0  }
0x1d: {  	s5 =	simm.s32 @p1 $0x1;
	p0 =	seq.s32 s7, s2  }
0x1e: {  	s7 =	smul.u32 @!p0 $0xF7A, s2;
	p2 =	seq.s32 @!p0 s5, $0x0  }
0x1f: {  	s9 =	smul.u32 $0xF7A, s1;
	s8 =	simm.s32 @!p0 $0x1BF5;
	p2 =	por !p2, p0  }
0x20: {  	[sflag:s8] =	ssyncset.s32 @!p0 $0xFFFFF086;
	s6 =	sadd.s32 @!p0 s3, s7;
	s7 =	simm.s32 @!p0 $0x108  }
0x21: {  	s3 =	sadd.s32 s3, s9;
	s6 =	sadd.s32 @!p0 $0x88, s6;
	s7 =	simm.s32 @p2 $0x1082  }
0x22: {  	[simem:s7], [sflag:s8] =	dma.local @!p0 [hbm:s6], $0xF7A  }
0x23: {  	s9 =	sor.u32 $0xD0000000, s2;
	s6 =	simm.s32 $0x108;
	_ =	swait.ge @!p0 [sflag:s8], $0x0  }
0x24: {  	s3 =	sadd.s32 $0x88, s3;
	s6 =	simm.s32 @!p1 $0x1082;
	[sflag:s4] =	ssyncset.s32 $0xFFFFF086  }
0x25: {  	[simem:s6], [sflag:s4] =	dma.local [hbm:s3], $0xF7A  }
0x26: {  	[smem:$0x3F9E] =	sst s1;
	(tag) =	ssettag s2;
	_ =	strace s9  }
0x27: {  	s1 =	sld [smem:$0x3FAE]  }
0x28: {  	s2 =	sld [smem:$0x3FAF]  }
0x29: {  	s4 =	sld [smem:$0x3FB1]  }
0x2a: {  	p0 =	seq.s32 s5, $0x0;
	s5 =	sld [smem:$0x3FB2]  }
0x2b: {  	s6 =	sld [smem:$0x3FB3]  }
0x2c: {  	s7 =	sld [smem:$0x3FB4]  }
0x2d: {  	s3 =	simm.s32 $0x108;
	s8 =	sld [smem:$0x3FB5]  }
0x2e: {  	s3 =	simm.s32 @!p0 $0x1082;
	s9 =	sld [smem:$0x3FB6]  }
0x2f: {  	lr =	sadd.s32 s0, s3;
	s0 =	sld [smem:$0x3FAD]  }
0x30: {  	s3 =	sld [smem:$0x3FB0]  }
0x31: {  	[smem:$0x3FB9] =	sst s10  }
0x32: {  	s10 =	sld [smem:$0x3FB7];
	_ =	sdelay $0x3  }
0x33: {  	p0 =	seq.s32 s10, $0x1;
	s10 =	sld [smem:$0x3FB9];
	_ =	sdelay $0x3  }
0x34: {  	[smem:$0x3FB9] =	sst s10  }
0x35: {  	s10 =	sld [smem:$0x3FB8];
	_ =	sdelay $0x3  }
0x36: {  	p1 =	seq.s32 s10, $0x1;
	s10 =	sld [smem:$0x3FB9];
	_ =	sdelay $0x3  }
0x37: {  	[smem:$0x3FB9] =	sst s10  }
0x38: {  	s10 =	sld [smem:$0x3FBA]  }
0x39: {  	_ = 	snop;
	(pc) =	sbr.ind lr, $3  }
0x3a: {  	_ = 	snop  }
0x3b: {  	_ = 	snop  }
0x3c: {  	p2 =	seq.s32 s10, $0x1;
	s10 =	sld [smem:$0x3FB9]  }
0x3d: {  	_ =	shalt  }
0x3e: {  	_ =	shalt  }
0x3f: {  	_ =	shalt  }
0x40: {  	_ =	shalt  }
0x41: {  	_ =	shalt  }
0x42: {  	_ =	shalt  }
0x43: {  	_ =	shalt  }
0x44: {  	_ =	shalt  }
0x45: {  	_ =	shalt  }
0x46: {  	_ =	shalt  }
0x47: {  	_ =	shalt  }
0x48: {  	_ =	shalt  }
0x49: {  	_ =	shalt  }
0x4a: {  	_ =	shalt  }
0x4b: {  	_ =	shalt  }
0x4c: {  	_ =	shalt  }
0x4d: {  	_ =	shalt  }
0x4e: {  	_ =	shalt  }
0x4f: {  	_ =	shalt  }
0x50: {  	_ =	shalt  }
0x51: {  	_ =	shalt  }
0x52: {  	_ =	shalt  }
0x53: {  	_ =	shalt  }
0x54: {  	_ =	shalt  }
0x55: {  	_ =	shalt  }
0x56: {  	_ =	shalt  }
0x57: {  	_ =	shalt  }
0x58: {  	_ =	shalt  }
0x59: {  	_ =	shalt  }
0x5a: {  	_ =	shalt  }
0x5b: {  	_ =	shalt  }
0x5c: {  	_ =	shalt  }
0x5d: {  	_ =	shalt  }
0x5e: {  	_ =	shalt  }
0x5f: {  	_ =	shalt  }
0x60: {  	_ =	shalt  }
0x61: {  	_ =	shalt  }
0x62: {  	_ =	shalt  }
0x63: {  	_ =	shalt  }
0x64: {  	_ =	shalt  }
0x65: {  	_ =	shalt  }
0x66: {  	_ =	shalt  }
0x67: {  	_ =	shalt  }
0x68: {  	_ =	shalt  }
0x69: {  	_ =	shalt  }
0x6a: {  	_ =	shalt  }
0x6b: {  	_ =	shalt  }
0x6c: {  	_ =	shalt  }
0x6d: {  	_ =	shalt  }
0x6e: {  	_ =	shalt  }
0x6f: {  	_ =	shalt  }
0x70: {  	_ =	shalt  }
0x71: {  	_ =	shalt  }
0x72: {  	_ =	shalt  }
0x73: {  	_ =	shalt  }
0x74: {  	_ =	shalt  }
0x75: {  	_ =	shalt  }
0x76: {  	_ =	shalt  }
0x77: {  	_ =	shalt  }
0x78: {  	_ =	shalt  }
0x79: {  	_ =	shalt  }
0x7a: {  	_ =	shalt  }
0x7b: {  	_ =	shalt  }
0x7c: {  	_ =	shalt  }
0x7d: {  	_ =	shalt  }
0x7e: {  	_ =	shalt  }
0x7f: {  	_ =	shalt  }
0x80: {  	_ =	shalt  }
0x81: {  	_ =	shalt  }
0x82: {  	_ =	shalt  }
0x83: {  	_ =	shalt  }
0x84: {  	_ =	shalt  }
0x85: {  	_ =	shalt  }
0x86: {  	_ =	shalt  }
0x87: {  	_ =	shalt  }
.Lfunc_end0:
.L_simem_size_0:
called_computation_lowered:
.L_overlay_start_0:
0x88: {  	s2 =	sld [smem:$0x3FD9]  }
0x89: {  	s3 =	sld [smem:$0x3FFE];
	_ =	sdelay $0x1  }
0x8a: {  	s1 =	srdreg.scid  }
0x8b: {  	s0 =	sand.u32 $0x1, s1  }
0x8c: {  	s18 =	sshll.u32 s0, $0xA;
	s2 =	sadd.s32 s3, s2  }
0x8d: {  	s2 =	sadd.s32 s2, s18  }
0x8e: {  	[smem:$0x3FC5] =	sst s2  }
0x8f: {  	_ = 	snop  }
0x90: {  	s2 =	sld [smem:$0x3FC9]  }
0x91: {  	s19 =	sld [smem:$0x3FC8]  }
0x92: {  	s4 =	sld [smem:$0x3FC7]  }
0x93: {  	s5 =	sld [smem:$0x3FD0];
	(tm) =	ssettm $0x1  }
0x94: {  	s6 =	sld [smem:$0x3FFB];
	_ =	sdelay $0x3  }
0x95: {  	_ =	strace s6  }
0x96: {  	s6 =	sld [smem:$0x3FFC];
	_ =	sdelay $0x3  }
0x97: {  	_ =	strace s6  }
0x98: {  	s6 =	sld [smem:$0x3FFD];
	_ =	sdelay $0x3  }
0x99: {  	_ =	strace s6  }
0x9a: {  	_ =	strace $0x8FFFFFFF  }
0x9b: {  	s20 =	sld [smem:$0x3FDB];
	_ =	sdelay $0x1  }
0x9c: {  	s7 =	simm.s32 $_scs_section_size  }
0x9d: {  	s8 =	simm.s32 $_size__tile_overlayer_lowered;
	s9 =	simm.s32 $_tile_overlayer_lowered  }
0x9e: {  	s23 =	simm.s32 $0x1BFF;
	s22 =	sshll.u32 s9, $0x1;
	s6 =	sadd.s32 s7, s20  }
0x9f: {  	s10 =	simm.s32 $0x0;
	s21 =	sshll.u32 s8, $0x1;
	s8 =	sadd.s32 s22, s6  }
0xa0: {  	[timem:s10], [sflag:s23] =	dma.local [hbm:s8], s21  }
0xa1: {  	_ =	swait.ge [sflag:s23], s21  }
0xa2: {  	s7 =	ssub.s32 $0x0, s21;
	[sflag:s23] =	ssyncset.done $0x0  }
0xa3: {  	[sflag:s23] =	ssyncadd.s32 s7;
	_ =	sdelay $0x1  }
0xa4: {  	s24 =	simm.s32 $0x1B8B  }
0xa5: {  	_ =	swait.ge [sflag:s24], $0x1  }
0xa6: {  	[sflag:s24] =	ssyncset.done $0x0  }
0xa7: {  	s25 =	simm.s32 $0x1B8E;
	[sflag:s24] =	ssyncadd.s32 $0xFFFFFFFF  }
0xa8: {  	s26 =	simm.s32 $execute0_lowered;
	[smem:$0x3FD2] =	sst s25  }
0xa9: {  	s7 =	sshll.u32 s26, $0x1;
	_ =	strace $0x80000046;
	[dreg:$0x1] =	wrdreg $0xFFFFFFFF  }
0xaa: {  	s28 =	simm.s32 $_size_execute0_lowered;
	s6 =	sadd.s32 s6, s7;
	[dreg:$0x0] =	wrdreg $0x0  }
0xab: {  	s7 =	sshll.u32 s28, $0x1;
	[dreg:$0x2] =	wrdreg s6  }
0xac: {  	[dreg:$0x3] =	wrdreg s7  }
0xad: {  	[dreg:$0x4] =	wrdreg $0xC0  }
0xae: {  	_ =	task [dreg:s10], $0x5FFFF  }
0xaf: {  	[dreg:$0x1] =	wrdreg $0xFFFFFFFF  }
0xb0: {  	[dreg:$0x0] =	wrdreg $0x60  }
0xb1: {  	[dreg:$0x2] =	wrdreg s2  }
0xb2: {  	[dreg:$0x3] =	wrdreg s19  }
0xb3: {  	[dreg:$0x4] =	wrdreg s4  }
0xb4: {  	[dreg:$0x5] =	wrdreg s5  }
0xb5: {  	[dreg:$0x6] =	wrdreg $0x9  }
0xb6: {  	_ =	task.clear_ibuf [dreg:s10], $0x7FFFF;
	_ =	strace $0x90000046  }
0xb7: {  	s29 =	simm.s32 $0x9;
	_ =	strace $0x80000048  }
0xb8: {  	_ =	swait.ge [sflag:s29], $0x1  }
0xb9: {  	[sflag:s29] =	ssyncadd.s32 $0xFFFFFFFF  }
0xba: {  	_ =	strace $0x90000048  }
0xbb: {  	_ =	sfence  }
0xbc: {  	s30 =	sld [smem:$0x0];
	_ =	sdelay $0x2  }
0xbd: {  	s31 =	sshll.u32 s1, $0xD;
	s1 =	sshrl.u32 s1, $0x2  }
0xbe: {  	s3 =	sand.u32 $0x4000, s31;
	s1 =	sadd.s32 s1, s30  }
0xbf: {  	s0 =	sor.u32 s3, s0;
	s1 =	sshll.u32 s1, $0x11  }
0xc0: {  	s0 =	sor.u32 s1, s0  }
0xc1: {  	s0 =	sadd.s32 $0x8F2B, s0  }
0xc2: {  	[sflag:s0] =	ssyncadd.remote.s32 $0x1  }
0xc3: {  	_ =	sfence.sel $0xFFFF  }
0xc4: {  	[dreg:$0x0] =	wrdreg $0xFFFFFFFF;
	(pc) =	sbr.abs _section_cstart, $3  }
0xc5: {  	[dreg:$0x1] =	wrdreg $0xFFFFFFFF  }
0xc6: {  	_ =	task.clear_ibuf [dreg:s10], $0x2FFFF;
	_ =	strace $0x9FFFFFFF  }
0xc7: {  	(tm) =	ssettm $0x7FFFFFFF  }
tec
execute0_lowered:
.L_overlay_start_1:
0x0: {  	(tag) =	ssettag $0x1  }
0x1: {  	s5 =	rddreg [dreg:$0x0]  }
0x2: {  	s6 =	rddreg [dreg:$0x1]  }
0x3: {  	s1 =	rddreg [dreg:$0x2]  }
0x4: {  	s2 =	rddreg [dreg:$0x3]  }
0x5: {  	s3 =	srdreg.scid;
	s0 =	rddreg [dreg:$0x4]  }
0x6: {  	s4 =	simm.s32 $0x0;
	s11 =	simm.s32 $0xE400;
	s12 =	simm.s32 $0x280  }
0x7: {  	s13 =	simm.s32 $0x12400;
	s14 =	simm.s32 $0x300;
	s15 =	simm.s32 $0x16400  }
0x8: {  	s16 =	simm.s32 $0x380;
	s17 =	simm.s32 $0x1A400;
	s18 =	simm.s32 $0x2  }
0x9: {  	s19 =	simm.s32 $0x0;
	s7 =	sand.u32 $0x1, s3;
	[smem:$0x7FF] =	sst s4  }
.Ltmp0:
0xa: {  	s3 =	stileid.u32;
	s8 =	ssub.s32 $0x2, s7;
	(pc) =	sbr.rel .LBB2_1-.Ltmp0, $4  }
0xb: {  	v0 =	vlaneseq.u32;
	s10 =	sshll.u32 s3, $0x7;
	s7 =	sshll.u32 s7, $0x6;
	_ =	strace $0x80000047  }
0xc: {  	v0 =	vmul.u32 $0x80, v0;
	s9 =	sshrl.u32 s8, $0x1;
	s7 =	sor.u32 s7, s10;
	s10 =	simm.s32 $0x80  }
0xd: {  	s8 =	ssub.s32 s8, s9;
	s5 =	sadd.s32 s5, s7;
	s6 =	sadd.s32 s6, s7  }
0xe: {  	v1 =	vor.u32 $0x800, v0;
	v2 =	vor.u32 $0x1000, v0;
	v3 =	vor.u32 $0x1800, v0;
	s9 =	simm.s32 $0x200;
	s7 =	smax.u32 s8, $0x1;
	s8 =	simm.s32 $0x3  }
.LBB2_10:
0xf: {  	[hbm4b:s2+s10] =	stream.indirect.scatter [tilespmem:s11], [sflag:$0x2], $0x80, s9, s10, $0xb8;
	[tilespmem:$0x1E400] =	vst v63  }
0x10: {  	_ = 	snop  }
0x11: {  	[hbm4b:s2+s10] =	stream.indirect.scatter [tilespmem:s13], [sflag:$0x2], $0x80, s12, s10, $0xb8;
	[tilespmem:$0x1E400] =	vst v63  }
0x12: {  	_ = 	snop  }
0x13: {  	[hbm4b:s2+s10] =	stream.indirect.scatter [tilespmem:s15], [sflag:$0x2], $0x80, s14, s10, $0xb8;
	[tilespmem:$0x1E400] =	vst v63  }
0x14: {  	_ = 	snop  }
0x15: {  	[hbm4b:s2+s10] =	stream.indirect.scatter [tilespmem:s17], [sflag:$0x2], $0x80, s16, s10, $0xb8;
	[tilespmem:$0x1E400] =	vst v63  }
0x16: {  	_ =	swait.ge [sflag:s18], $0x4000  }
0x17: {  	[sflag:s18] =	ssyncset.done $0x0  }
0x18: {  	[sflag:s18] =	ssyncadd.s32 $0xFFFFC000  }
0x19: {  	_ =	swait.ge [sflag:s18], $0x4000  }
0x1a: {  	[sflag:s18] =	ssyncset.done $0x0  }
0x1b: {  	s19 =	sadd.s32 $0x1, s19;
	[sflag:s18] =	ssyncadd.s32 $0xFFFFC000  }
0x1c: {  	p0 =	sne.s32 s19, s7;
	_ =	swait.ge [sflag:s18], $0x4000  }
.Ltmp1:
0x1d: {  	[sflag:s18] =	ssyncset.done $0x0;
	(pc) =	sbr.rel @!p0 .LBB2_11-.Ltmp1, $4  }
0x1e: {  	[sflag:s18] =	ssyncadd.s32 $0xFFFFC000  }
0x1f: {  	_ =	swait.ge [sflag:s18], $0x4000  }
0x20: {  	[sflag:s18] =	ssyncset.done $0x0  }
0x21: {  	[sflag:s18] =	ssyncadd.s32 $0xFFFFC000  }
.LBB2_1:
0x22: {  	[tilespmem:s4], [sflag:$0x3] =	stream.linear.gather [hbm4b:s5+s4], $0x200, $0x38;
	[tilespmem:$0x1E400] =	vst v63  }
0x23: {  	_ =	swait.ge [sflag:s8], $0x200  }
0x24: {  	[sflag:s8] =	ssyncset.done $0x0  }
0x25: {  	[sflag:s8] =	ssyncadd.s32 $0xFFFFFE00  }
0x26: {  	[tilespmem:s9], [sflag:$0x3] =	stream.linear.gather [hbm4b:s6+s4], $0x200, $0x38;
	[tilespmem:$0x1E400] =	vst v63  }
0x27: {  	_ =	swait.ge [sflag:s8], $0x200  }
0x28: {  	[sflag:s8] =	ssyncset.done $0x0  }
0x29: {  	s21 =	simm.s32 $0x0;
	[sflag:s8] =	ssyncadd.s32 $0xFFFFFE00  }
0x2a: {  	v5 =	vld [tilespmem:s21+$0x0];
	_ =	sdelay $0x4  }
0x2b: {  	(v2sf) =	vpush v5, $0x0  }
0x2c: {  	(v2sf) =	vpush v5, $0x1;
	_ =	sdelay $0x1  }
0x2d: {  	(v2sf) =	vpush v5, $0x2  }
0x2e: {  	(v2sf) =	vpush v5, $0x3  }
0x2f: {  	(v2sf) =	vpush v5, $0x4  }
0x30: {  	(v2sf) =	vpush v5, $0x5  }
0x31: {  	(v2sf) =	vpush v5, $0x6  }
0x32: {  	(v2sf) =	vpush v5, $0x7  }
0x33: {  	(v2sf) =	vpush v5, $0x8  }
0x34: {  	(v2sf) =	vpush v5, $0x9  }
0x35: {  	s20 =	simm.s32 $0x10;
	(v2sf) =	vpush v5, $0xA  }
0x36: {  	v4 =	vld [tilespmem:s20+$0x0];
	(v2sf) =	vpush v5, $0xB  }
0x37: {  	(v2sf) =	vpush v5, $0xC  }
0x38: {  	(v2sf) =	vpush v5, $0xD  }
0x39: {  	(v2sf) =	vpush v5, $0xE;
	s22 =	spop (v2sf)  }
0x3a: {  	(v2sf) =	vpush v5, $0xF;
	[smem:s21] =	sst s22;
	s31 =	spop (v2sf)  }
0x3b: {  	(v2sf) =	vpush v4, $0x0;
	[smem:$0x1] =	sst s31  }
0x3c: {  	s22 =	spop (v2sf)  }
0x3d: {  	(v2sf) =	vpush v4, $0x1;
	[smem:$0x2] =	sst s22  }
0x3e: {  	s22 =	spop (v2sf)  }
0x3f: {  	(v2sf) =	vpush v4, $0x2;
	[smem:$0x3] =	sst s22  }
0x40: {  	s22 =	spop (v2sf)  }
0x41: {  	(v2sf) =	vpush v4, $0x3;
	[smem:$0x4] =	sst s22  }
0x42: {  	s22 =	spop (v2sf)  }
0x43: {  	(v2sf) =	vpush v4, $0x4;
	[smem:$0x5] =	sst s22  }
0x44: {  	s22 =	spop (v2sf)  }
0x45: {  	(v2sf) =	vpush v4, $0x5;
	[smem:$0x6] =	sst s22  }
0x46: {  	s22 =	spop (v2sf)  }
0x47: {  	(v2sf) =	vpush v4, $0x6;
	[smem:$0x7] =	sst s22  }
0x48: {  	s22 =	spop (v2sf)  }
0x49: {  	(v2sf) =	vpush v4, $0x7;
	[smem:$0x8] =	sst s22  }
0x4a: {  	s22 =	spop (v2sf)  }
0x4b: {  	(v2sf) =	vpush v4, $0x8;
	[smem:$0x9] =	sst s22  }
0x4c: {  	s22 =	spop (v2sf)  }
0x4d: {  	(v2sf) =	vpush v4, $0x9;
	[smem:$0xA] =	sst s22  }
0x4e: {  	s22 =	spop (v2sf)  }
0x4f: {  	(v2sf) =	vpush v4, $0xA;
	[smem:$0xB] =	sst s22  }
0x50: {  	s23 =	spop (v2sf)  }
0x51: {  	(v2sf) =	vpush v4, $0xB;
	[smem:$0xC] =	sst s23  }
0x52: {  	s22 =	simm.s32 $0x20;
	s23 =	spop (v2sf)  }
0x53: {  	v5 =	vld [tilespmem:s22+$0x0];
	(v2sf) =	vpush v4, $0xC;
	[smem:$0xD] =	sst s23  }
0x54: {  	s23 =	spop (v2sf)  }
0x55: {  	(v2sf) =	vpush v4, $0xD;
	[smem:$0xE] =	sst s23  }
0x56: {  	s23 =	simm.s32 $0xC0;
	s24 =	spop (v2sf)  }
.LBB2_2:
0x57: {  	p0 =	sne.s32 s23, $0x7C0;
	[smem:s21+$0xF] =	sst s24;
	s24 =	smov.u32 s23  }
0x58: {  	(v2sf) =	vpush v4, $0xE;
	s23 =	sadd.s32 $0x40, s23;
	s21 =	smov.u32 s20;
	s20 =	smov.u32 s22  }
0x59: {  	s22 =	spop (v2sf);
	(v2sf) =	vpush v4, $0xF  }
0x5a: {  	[smem:s21] =	sst s22;
	s22 =	spop (v2sf)  }
0x5b: {  	(v2sf) =	vpush v5, $0x0;
	[smem:s21+$0x1] =	sst s22;
	s22 =	spop (v2sf);
	v4 =	vmov v5  }
0x5c: {  	(v2sf) =	vpush v4, $0x1;
	[smem:s21+$0x2] =	sst s22;
	s22 =	spop (v2sf)  }
0x5d: {  	(v2sf) =	vpush v4, $0x2;
	[smem:s21+$0x3] =	sst s22;
	s22 =	spop (v2sf)  }
0x5e: {  	(v2sf) =	vpush v4, $0x3;
	[smem:s21+$0x4] =	sst s22;
	s22 =	spop (v2sf)  }
0x5f: {  	(v2sf) =	vpush v4, $0x4;
	[smem:s21+$0x5] =	sst s22;
	s22 =	spop (v2sf)  }
0x60: {  	(v2sf) =	vpush v4, $0x5;
	[smem:s21+$0x6] =	sst s22;
	s22 =	spop (v2sf)  }
0x61: {  	(v2sf) =	vpush v4, $0x6;
	[smem:s21+$0x7] =	sst s22;
	s22 =	spop (v2sf)  }
0x62: {  	(v2sf) =	vpush v4, $0x7;
	[smem:s21+$0x8] =	sst s22;
	s22 =	spop (v2sf)  }
0x63: {  	(v2sf) =	vpush v4, $0x8;
	[smem:s21+$0x9] =	sst s22;
	s22 =	spop (v2sf)  }
0x64: {  	[smem:s21+$0xA] =	sst s22  }
.Ltmp2:
0x65: {  	(v2sf) =	vpush v4, $0x9;
	s22 =	spop (v2sf);
	(pc) =	sbr.rel @p0 .LBB2_2-.Ltmp2, $4  }
0x66: {  	(v2sf) =	vpush v4, $0xA;
	[smem:s21+$0xB] =	sst s22;
	s25 =	spop (v2sf)  }
0x67: {  	s22 =	sshra.s32 s24, $0x2;
	(v2sf) =	vpush v4, $0xB;
	[smem:s21+$0xC] =	sst s25;
	s24 =	spop (v2sf)  }
0x68: {  	v5 =	vld [tilespmem:s22+$0x0];
	(v2sf) =	vpush v4, $0xC;
	[smem:s21+$0xD] =	sst s24;
	s24 =	spop (v2sf)  }
0x69: {  	(v2sf) =	vpush v4, $0xD;
	[smem:s21+$0xE] =	sst s24;
	s24 =	spop (v2sf)  }
0x6a: {  	_ = 	snop  }
0x6b: {  	(v2sf) =	vpush v4, $0xE  }
0x6c: {  	[smem:s21+$0xF] =	sst s24;
	s24 =	spop (v2sf);
	(v2sf) =	vpush v4, $0xF  }
0x6d: {  	[smem:s20] =	sst s24;
	s25 =	spop (v2sf);
	(v2sf) =	vpush v5, $0x0  }
0x6e: {  	[smem:s20+$0x1] =	sst s25;
	s26 =	spop (v2sf);
	(v2sf) =	vpush v5, $0x1  }
0x6f: {  	[smem:s20+$0x2] =	sst s26;
	s28 =	spop (v2sf);
	(v2sf) =	vpush v5, $0x2  }
0x70: {  	[smem:s20+$0x3] =	sst s28;
	s29 =	spop (v2sf);
	(v2sf) =	vpush v5, $0x3  }
0x71: {  	[smem:s20+$0x4] =	sst s29;
	s30 =	spop (v2sf);
	(v2sf) =	vpush v5, $0x4  }
0x72: {  	[smem:s20+$0x5] =	sst s30;
	s31 =	spop (v2sf);
	(v2sf) =	vpush v5, $0x5  }
0x73: {  	[smem:s20+$0x6] =	sst s31;
	s23 =	spop (v2sf);
	(v2sf) =	vpush v5, $0x6  }
0x74: {  	[smem:s20+$0x7] =	sst s23;
	s24 =	spop (v2sf);
	(v2sf) =	vpush v5, $0x7  }
0x75: {  	[smem:s20+$0x8] =	sst s24;
	s25 =	spop (v2sf);
	(v2sf) =	vpush v5, $0x8  }
0x76: {  	[smem:s20+$0x9] =	sst s25;
	s26 =	spop (v2sf);
	(v2sf) =	vpush v5, $0x9  }
0x77: {  	[smem:s20+$0xA] =	sst s26;
	s28 =	spop (v2sf);
	(v2sf) =	vpush v5, $0xA  }
0x78: {  	[smem:s20+$0xB] =	sst s28;
	s29 =	spop (v2sf);
	(v2sf) =	vpush v5, $0xB  }
0x79: {  	[smem:s20+$0xC] =	sst s29;
	s30 =	spop (v2sf)  }
0x7a: {  	(v2sf) =	vpush v5, $0xC;
	[smem:s20+$0xD] =	sst s30;
	s31 =	spop (v2sf)  }
0x7b: {  	(v2sf) =	vpush v5, $0xD;
	[smem:s20+$0xE] =	sst s31;
	s23 =	spop (v2sf)  }
0x7c: {  	(v2sf) =	vpush v5, $0xE;
	[smem:s20+$0xF] =	sst s23;
	s24 =	spop (v2sf)  }
0x7d: {  	(v2sf) =	vpush v5, $0xF;
	[smem:s22] =	sst s24;
	s25 =	spop (v2sf)  }
0x7e: {  	[smem:s22+$0x1] =	sst s25;
	s26 =	spop (v2sf)  }
0x7f: {  	[smem:s22+$0x2] =	sst s26;
	s28 =	spop (v2sf)  }
0x80: {  	[smem:s22+$0x3] =	sst s28;
	s29 =	spop (v2sf)  }
0x81: {  	[smem:s22+$0x4] =	sst s29;
	s30 =	spop (v2sf)  }
0x82: {  	[smem:s22+$0x5] =	sst s30;
	s31 =	spop (v2sf)  }
0x83: {  	[smem:s22+$0x6] =	sst s31;
	s21 =	spop (v2sf)  }
0x84: {  	[smem:s22+$0x7] =	sst s21;
	s23 =	spop (v2sf)  }
0x85: {  	[smem:s22+$0x8] =	sst s23;
	s24 =	spop (v2sf)  }
0x86: {  	[smem:s22+$0x9] =	sst s24;
	s25 =	spop (v2sf)  }
0x87: {  	[smem:s22+$0xA] =	sst s25;
	s26 =	spop (v2sf)  }
0x88: {  	[smem:s22+$0xB] =	sst s26  }
.Ltmp3:
0x89: {  	s28 =	spop (v2sf);
	(pc) =	sbr.rel .LBB2_4-.Ltmp3, $4  }
0x8a: {  	[smem:s22+$0xC] =	sst s28;
	s29 =	spop (v2sf)  }
0x8b: {  	s20 =	simm.s32 $0x0;
	[smem:s22+$0xD] =	sst s29;
	s30 =	spop (v2sf)  }
0x8c: {  	s21 =	simm.s32 $0x0;
	[smem:s22+$0xE] =	sst s30;
	s31 =	spop (v2sf)  }
0x8d: {  	s23 =	simm.s32 $0x0;
	[smem:s22+$0xF] =	sst s31;
	s22 =	simm.s32 $0x0  }
.LBB2_5:
0x8e: {  	s23 =	smov.u32 @p0 s23;
	s21 =	smov.u32 @p0 s21  }
.LBB2_9:
0x8f: {  	p0 =	sgt.s32 s22, $0x1;
	s24 =	smov.u32 s22  }
0x90: {  	s25 =	sld [smem:s22+$0x0];
	s24 =	simm.s32 @!p0 $0x1  }
0x91: {  	s24 =	sld [smem:s24+$0xFFFFFFFF];
	_ =	sdelay $0x2  }
0x92: {  	s24 =	sxor.u32 s24, s25  }
0x93: {  	p6 =	seq.s32 s22, $0x0;
	p1 =	sgt.u32 s24, $0x7F  }
0x94: {  	s24 =	simm.s32 $0x1;
	p0 =	por p6, p1  }
0x95: {  	s24 =	simm.s32 @!p0 $0x0  }
0x96: {  	s20 =	sadd.s32 s24, s20  }
0x97: {  	s24 =	sadd.s32 $0xFFFFFFFF, s20  }
0x98: {  	s26 =	smulhi.u32 $0x92492493, s24;
	s28 =	sshra.s32 s24, $0x1F  }
0x99: {  	s28 =	smul.u32 $0x92492493, s28  }
0x9a: {  	s26 =	ssub.s32 s26, s20  }
0x9b: {  	s26 =	sadd.s32 s28, s26  }
0x9c: {  	s26 =	sadd.s32 s24, s26  }
0x9d: {  	s26 =	sadd.s32 $0x1, s26  }
0x9e: {  	s30 =	sshrl.u32 s26, $0x1F;
	s26 =	sshra.s32 s26, $0x2  }
0x9f: {  	s26 =	sadd.s32 s30, s26  }
0xa0: {  	s26 =	smul.u32 $0x7, s26  }
0xa1: {  	s25 =	sand.u32 $0x7F, s25  }
0xa2: {  	v4 =	vor.u32 s25, v0;
	s24 =	ssub.s32 s24, s26  }
0xa3: {  	s26 =	simm.s32 @p0 $0x1;
	s28 =	sshll.u32 s24, $0xD  }
0xa4: {  	_ =	swait.ge @p0 [sflag:s26], $0x2000;
	p1 =	slt.s32 s24, $0x0;
	s24 =	sadd.s32 $0xE000, s28  }
0xa5: {  	[sflag:s26] =	ssyncset.done @p0 $0x0;
	s28 =	smov.u32 @p1 s24  }
0xa6: {  	[sflag:s26] =	ssyncadd.s32 @p0 $0xFFFFE000;
	s24 =	sor.u32 $0x400, s28  }
0xa7: {  	v4 =	vld.idx.msk [tilespmem:v4+s24+$0x0], $0xffff  }
0xa8: {  	v5 =	vor.u32 s25, v1;
	_ =	sdelay $0x1  }
0xa9: {  	s31 =	sshll.u32 s22, $0x7  }
0xaa: {  	s26 =	sand.u32 $0x3FFFFF80, s31  }
0xab: {  	[tilespmem:s26+$0xE400] =	vst v4  }
0xac: {  	v4 =	vld.idx.msk [tilespmem:v5+s24+$0x0], $0xffff  }
0xad: {  	v5 =	vor.u32 s25, v2;
	_ =	sdelay $0x3  }
0xae: {  	[tilespmem:s26+$0xE410] =	vst v4  }
0xaf: {  	v4 =	vld.idx.msk [tilespmem:v5+s24+$0x0], $0xffff  }
0xb0: {  	v5 =	vor.u32 s25, v3;
	_ =	sdelay $0x3  }
0xb1: {  	s22 =	sadd.s32 $0x1, s22;
	[tilespmem:s26+$0xE420] =	vst v4  }
0xb2: {  	p0 =	sne.s32 s22, $0x200;
	v4 =	vld.idx.msk [tilespmem:v5+s24+$0x0], $0xffff  }
.Ltmp4:
0xb3: {  	_ = 	snop;
	(pc) =	sbr.rel @!p0 .LBB2_10-.Ltmp4, $2  }
0xb4: {  	_ =	sdelay $0x2  }
0xb5: {  	[tilespmem:s26+$0xE430] =	vst v4  }
.LBB2_4:
0xb6: {  	s24 =	ssub.s32 s21, s20  }
0xb7: {  	p1 =	sle.s32 s23, s22;
	p2 =	slt.s32 s24, $0x6  }
0xb8: {  	p0 =	sgt.s32 s23, $0x1FF;
	p1 =	por p1, p2  }
0xb9: {  	p1 =	por p0, !p1  }
.Ltmp5:
0xba: {  	_ = 	snop;
	(pc) =	sbr.rel @p1 .LBB2_5-.Ltmp5, $1  }
0xbb: {  	_ =	sdelay $0x3  }
0xbc: {  	s24 =	sshll.u32 s23, $0x2  }
0xbd: {  	s24 =	sshra.s32 s24, $0x2  }
.LBB2_7:
0xbe: {  	p0 =	sgt.s32 s23, $0x1;
	s25 =	smov.u32 s23  }
0xbf: {  	s26 =	sld [smem:s24+$0x0];
	s25 =	simm.s32 @!p0 $0x1  }
0xc0: {  	s25 =	sld [smem:s25+$0xFFFFFFFF];
	_ =	sdelay $0x2  }
0xc1: {  	s25 =	sxor.u32 s25, s26  }
0xc2: {  	p5 =	seq.s32 s23, $0x0;
	p1 =	sgt.u32 s25, $0x7F  }
0xc3: {  	p0 =	por p5, p1  }
0xc4: {  	s25 =	smulhi.u32 @p0 $0x92492493, s21;
	s28 =	sshra.s32 @p0 s21, $0x1F  }
0xc5: {  	s28 =	smul.u32 @p0 $0x92492493, s28  }
0xc6: {  	s25 =	ssub.s32 @p0 s25, s21  }
0xc7: {  	s25 =	sadd.s32 @p0 s28, s25  }
0xc8: {  	s25 =	sadd.s32 @p0 s21, s25  }
0xc9: {  	s28 =	sshrl.u32 @p0 s25, $0x1F;
	s25 =	sshra.s32 @p0 s25, $0x2  }
0xca: {  	s25 =	sadd.s32 @p0 s28, s25  }
0xcb: {  	s25 =	smul.u32 @p0 $0x7, s25;
	_ =	sdelay $0x1  }
0xcc: {  	s25 =	ssub.s32 @p0 s21, s25  }
0xcd: {  	p1 =	slt.s32 @p0 s25, $0x0;
	s25 =	sshll.u32 @p0 s25, $0xD  }
0xce: {  	s28 =	sadd.s32 @p0 $0xE000, s25;
	p1 =	por !p1, !p0  }
0xcf: {  	s29 =	simm.s32 @p0 $0x7A1400;
	s28 =	smov.u32 @p1 s25;
	s25 =	sand.u32 @p0 $0xFFFFF80, s26  }
0xd0: {  	s26 =	sor.u32 @p0 $0x400, s28;
	s25 =	sadd.s32 @p0 s1, s25;
	s28 =	simm.s32 @p0 $0x400  }
0xd1: {  	[tilespmem:s26], [sflag:$0x1] =	stream.strided.gather @p0 [hbm4b:s25+s28], $0x2000, s29, s28, $0x38;
	[tilespmem:$0x1E400] =	vst v63  }
0xd2: {  	s25 =	simm.s32 $0x1  }
0xd3: {  	s25 =	simm.s32 @!p0 $0x0  }
0xd4: {  	s21 =	sadd.s32 s25, s21  }
0xd5: {  	s25 =	ssub.s32 s21, s20  }
0xd6: {  	p6 =	slt.s32 s23, s22;
	p2 =	slt.s32 s25, $0x6  }
0xd7: {  	p0 =	sgt.s32 s23, $0x1FE;
	p1 =	por p6, p2  }
0xd8: {  	p1 =	por p0, !p1  }
.Ltmp6:
0xd9: {  	_ = 	snop;
	(pc) =	sbr.rel @!p1 .LBB2_7-.Ltmp6, $2  }
0xda: {  	_ =	sdelay $0x2  }
0xdb: {  	s24 =	sadd.s32 $0x1, s24;
	s23 =	sadd.s32 $0x1, s23  }
.Ltmp7:
0xdc: {  	(pc) =	sbr.rel .LBB2_9-.Ltmp7, $2  }
0xdd: {  	_ =	sdelay $0x2  }
0xde: {  	s23 =	smov.u32 @p0 s23;
	s21 =	smov.u32 @p0 s21  }
.LBB2_11:
0xdf: {  	_ =	sfence.sel $0x180000  }
0xe0: {  	[bflag:$0x0] =	sbarrier.arrive $0xFFFF  }
0xe1: {  	p0 =	sne.s32 s3, $0x0;
	_ =	strace $0x90000047  }
0xe2: {  	s0 =	sadd.s32 @!p0 $0x100000, s0;
	[bflag:$0x2] =	sbarrier.arrive $0xFFFF  }
0xe3: {  	[sflag:s0] =	ssyncadd.tile.s32 @!p0 $0x1;
	_ =	shalt  }
.Lfunc_end2:
_tile_overlayer_lowered:
.L_overlay_start_2:
0xe4: {  	(tag) =	ssettag $0x2  }
0xe5: {  	s0 =	rddreg [dreg:$0x0];
	s2 =	stileid.u32  }
0xe6: {  	s1 =	rddreg [dreg:$0x1];
	p0 =	sne.s32 s2, $0x0  }
0xe7: {  	s3 =	rddreg [dreg:$0x2];
	[bflag:$0x3] =	sbarrier.arrive $0xFFFF;
	s2 =	simm.s32 @!p0 $0x1C03  }
0xe8: {  	[timem:s3], [sflag:s2] =	dma.local @!p0 [hbm:s0], s1  }
0xe9: {  	s0 =	simm.s32 @!p0 $0x3  }
0xea: {  	_ =	swait.ge @!p0 [sflag:s0], s1  }
0xeb: {  	s1 =	ssub.s32 @!p0 $0x0, s1;
	[sflag:s0] =	ssyncset.done @!p0 $0x0  }
0xec: {  	[sflag:s0] =	ssyncadd.s32 @!p0 s1  }
0xed: {  	[bflag:$0x3] =	sbarrier.arrive $0xFFFF  }
0xee: {  	_ =	shalt  }

</sc_bundles>
